<compile_context>
chip_gen: v7x
topology: tpu7x:2x2x1
jax: 0.10.2.dev20260603
libtpu: 0.0.44.dev20260713+nightly
codegen_flags: <defaults>
</compile_context>

<pallas_src>
import jax
import jax.numpy as jnp
from jax import lax
from jax.experimental import pallas as pl
from jax.experimental.pallas import tpu as pltpu
from jax.experimental.pallas import tpu_sc as plsc

B = 65536
L = 16
NS = 16
BLK = B // NS
CH = BLK // L
FAST = 8192
SBUF = BLK + L
PAD = 32


def _cross(sv):
    return jnp.bitwise_and(sv, 15) == 1


def _body(seq_hbm, last_hbm, free_hbm, out_hbm,
          seq_v, last_v, free_v, out_v, stage_v, tots_v, tot_spm,
          sem_last, sem_free):
    s = lax.axis_index("s")
    base = s * BLK

    cp_last = pltpu.async_copy(last_hbm.at[pl.ds(base, BLK)], last_v, sem_last)
    cp_free = pltpu.async_copy(free_hbm.at[pl.ds(0, FAST)], free_v, sem_free)

    pltpu.sync_copy(seq_hbm.at[pl.ds(base, BLK)], seq_v)

    one = jnp.full((L,), 1, jnp.int32)
    zero = jnp.zeros((L,), jnp.int32)

    @plsc.parallel_loop(0, CH, unroll=16, carry=jnp.zeros((L,), jnp.int32))
    def p1(i, acc):
        return acc + jnp.where(_cross(seq_v[pl.ds(i * L, L)]), one, zero)

    tot_own = jnp.sum(p1)
    stage_v[...] = jnp.full((L,), tot_own, jnp.int32)
    pltpu.sync_copy(stage_v, tot_spm.at[PAD + s])
    plsc.subcore_barrier()
    pltpu.sync_copy(tot_spm.at[pl.ds(PAD, NS)], tots_v)

    off = jnp.zeros((L,), jnp.int32)
    for j in range(NS):
        off = jnp.where(j < s, off + tots_v[j], off)
    off_s = jnp.max(off)

    cp_free.wait()
    slow = off_s + tot_own > FAST
    start = pl.multiple_of(
        jnp.minimum(jnp.bitwise_and(off_s, -L), B - SBUF), L)

    @pl.when(slow)
    def _():
        pltpu.sync_copy(free_hbm.at[pl.ds(start, SBUF)],
                        free_v.at[pl.ds(0, SBUF)])

    base_v = jnp.where(slow, off - jnp.full((L,), start, jnp.int32), off)
    cp_last.wait()

    @plsc.parallel_loop(0, CH, unroll=8, carry=jnp.zeros((L,), jnp.int32))
    def p2(i, carry):
        sv = seq_v[pl.ds(i * L, L)]
        mask = _cross(sv)
        nnp = jnp.where(mask, one, zero)
        inc = plsc.cumsum(nnp)
        excl = inc - nnp + carry
        idx = jnp.minimum(excl + base_v, FAST - 1)
        page = plsc.load_gather(free_v, [idx]) * L
        ll = last_v[pl.ds(i * L, L)]
        out_v[pl.ds(i * L, L)] = jnp.where(mask, page, ll + 1)
        return carry + plsc.all_reduce_population_count(mask)

    pltpu.sync_copy(out_v, out_hbm.at[pl.ds(base, BLK)])


def kernel(seq_lens, last_loc, free_page):
    run = pl.kernel(
        _body,
        out_type=jax.ShapeDtypeStruct((B,), jnp.int32),
        mesh=plsc.VectorSubcoreMesh(core_axis_name="c", subcore_axis_name="s",
                                    num_cores=1),
        compiler_params=pltpu.CompilerParams(needs_layout_passes=False),
        scratch_types=[
            pltpu.VMEM((BLK,), jnp.int32),
            pltpu.VMEM((BLK,), jnp.int32),
            pltpu.VMEM((FAST,), jnp.int32),
            pltpu.VMEM((BLK,), jnp.int32),
            pltpu.VMEM((L,), jnp.int32),
            pltpu.VMEM((NS, L), jnp.int32),
            pltpu.VMEM_SHARED((PAD + NS, L), jnp.int32),
            pltpu.SemaphoreType.DMA,
            pltpu.SemaphoreType.DMA,
        ],
    )
    return run(seq_lens.astype(jnp.int32),
               last_loc.astype(jnp.int32),
               free_page.astype(jnp.int32))

# --- scband reference (transcript-rebuilt; emitter-appended) ---
"""Pipeline reference for scband-model-32212254720220 (READ-ONLY COPY).

The authoritative reference and input builder live on the scoring server;
editing this copy changes nothing except your own understanding.
"""

import jax, jax.numpy as jnp
import numpy as np

PAGE_SIZE = 16
BATCH = 65536


def setup_inputs(seed: int = 0) -> dict:
    key = jax.random.key(seed)
    k1, k2, k3 = jax.random.split(key, 3)
    seq_lens = jax.random.randint(k1, (BATCH,), 0, 32768, dtype=jnp.int32)
    last_loc = jax.random.randint(k2, (BATCH,), 0, 16000000, dtype=jnp.int32)
    free_page = jax.random.randint(k3, (BATCH,), 0, 1000000, dtype=jnp.int32)
    return {"seq_lens": seq_lens, "last_loc": last_loc, "free_page": free_page}


def reference(seq_lens, last_loc, free_page):
    # Faithful translation of alloc_decode_kernel.
    # For each request pid: pre_len = seq_len - 1.
    # num_new_pages[i] = ceil(seq_len/ps) - ceil(pre_len/ps)  (1 iff crosses page boundary)
    # new_page_start_loc[pid] = sum_{i<=pid} num_new_pages[i] - num_new_pages[pid]
    #   (exclusive prefix sum, matching tl.sum over masked offsets <= pid minus self)
    # If no new page needed: out = last_loc + 1 (next slot in current page)
    # Else: out = free_page[new_page_start_loc] * page_size (start of freshly allocated page)
    page_size = PAGE_SIZE
    seq_lens = seq_lens.astype(jnp.int32)
    pre_lens = seq_lens - 1
    num_pages_after = (seq_lens + page_size - 1) // page_size
    num_pages_before = (pre_lens + page_size - 1) // page_size
    num_new_pages = num_pages_after - num_pages_before
    inclusive = jnp.cumsum(num_new_pages)
    new_page_start_loc = inclusive - num_new_pages  # exclusive prefix sum
    needs_new_page = num_new_pages != 0
    gather_idx = jnp.clip(new_page_start_loc, 0, free_page.shape[0] - 1)
    page_start = free_page[gather_idx] * page_size
    out_indices = jnp.where(needs_new_page, page_start, last_loc + 1)
    return out_indices.astype(jnp.int32)

if __name__ == "__main__":
    import jax
    _d = setup_inputs()
    print(jax.jit(kernel)(*tuple(_d.values())))

</pallas_src>

<mosaic_0001>
#map = affine_map<(d0, d1) -> (0)>
module attributes {stable_mosaic.version = 14 : i64} {
  func.func @_body(%arg0: i32, %arg1: i32, %arg2: memref<65536xi32, #tpu.memory_space<hbm>>, %arg3: memref<65536xi32, #tpu.memory_space<hbm>>, %arg4: memref<65536xi32, #tpu.memory_space<hbm>>, %arg5: memref<65536xi32, #tpu.memory_space<hbm>>, %arg6: memref<4096xi32, #tpu.memory_space<vmem>>, %arg7: memref<4096xi32, #tpu.memory_space<vmem>>, %arg8: memref<8192xi32, #tpu.memory_space<vmem>>, %arg9: memref<4096xi32, #tpu.memory_space<vmem>>, %arg10: memref<16xi32, #tpu.memory_space<vmem>>, %arg11: memref<16x16xi32, #tpu.memory_space<vmem>>, %arg12: memref<48x16xi32, #tpu.memory_space<vmem_shared>>, %arg13: memref<!tpu.dma_semaphore, #tpu.memory_space<semaphore_mem>>, %arg14: memref<!tpu.dma_semaphore, #tpu.memory_space<semaphore_mem>>) attributes {dimension_semantics = [#tpu.dimension_semantics<core_parallel>, #tpu.dimension_semantics<subcore_parallel>], iteration_bounds = array<i64: 1, 16>, scalar_prefetch = 0 : i64, scratch_operands = 9 : i64, tpu.core_type = #tpu.core_type<sc_vector_subcore>, window_params = [{transform_indices = #map}, {transform_indices = #map}, {transform_indices = #map}, {transform_indices = #map}]} {
    %mul3A = arith.constant 4096 : i32
    %mul3A_0 = arith.muli %arg1, %mul3A : i32
    %dma_start3A = tpu.memref_slice %arg3[%mul3A_0] : memref<65536xi32, #tpu.memory_space<hbm>> -> memref<4096xi32, #tpu.memory_space<hbm>>
    %dma_start3A_1 = tpu.memref_slice %arg3[%mul3A_0] : memref<65536xi32, #tpu.memory_space<hbm>> -> memref<4096xi32, #tpu.memory_space<hbm>>
    tpu.enqueue_dma source(%dma_start3A_1 : memref<4096xi32, #tpu.memory_space<hbm>>) target(%arg7 : memref<4096xi32, #tpu.memory_space<vmem>>) target_semaphore(%arg13 : memref<!tpu.dma_semaphore, #tpu.memory_space<semaphore_mem>>)
    %dma_start3A_2 = arith.constant 0 : i32
    %dma_start3A_3 = tpu.memref_slice %arg4[%dma_start3A_2] : memref<65536xi32, #tpu.memory_space<hbm>> -> memref<8192xi32, #tpu.memory_space<hbm>>
    %dma_start3A_4 = arith.constant 0 : i32
    %dma_start3A_5 = tpu.memref_slice %arg4[%dma_start3A_4] : memref<65536xi32, #tpu.memory_space<hbm>> -> memref<8192xi32, #tpu.memory_space<hbm>>
    tpu.enqueue_dma source(%dma_start3A_5 : memref<8192xi32, #tpu.memory_space<hbm>>) target(%arg8 : memref<8192xi32, #tpu.memory_space<vmem>>) target_semaphore(%arg14 : memref<!tpu.dma_semaphore, #tpu.memory_space<semaphore_mem>>)
    "tpu.region"() ({
      %run_scoped3A = tpu.sem_alloc : memref<!tpu.dma_semaphore, #tpu.memory_space<semaphore_mem>>
      %dma_start3A_173 = tpu.memref_slice %arg2[%mul3A_0] : memref<65536xi32, #tpu.memory_space<hbm>> -> memref<4096xi32, #tpu.memory_space<hbm>>
      %dma_start3A_174 = tpu.memref_slice %arg2[%mul3A_0] : memref<65536xi32, #tpu.memory_space<hbm>> -> memref<4096xi32, #tpu.memory_space<hbm>>
      tpu.enqueue_dma source(%dma_start3A_174 : memref<4096xi32, #tpu.memory_space<hbm>>) target(%arg6 : memref<4096xi32, #tpu.memory_space<vmem>>) target_semaphore(%run_scoped3A : memref<!tpu.dma_semaphore, #tpu.memory_space<semaphore_mem>>)
      %dma_wait3A_175 = tpu.memref_slice %arg2[%mul3A_0] : memref<65536xi32, #tpu.memory_space<hbm>> -> memref<4096xi32, #tpu.memory_space<hbm>>
      %dma_wait3A_176 = tpu.memref_slice %arg2[%mul3A_0] : memref<65536xi32, #tpu.memory_space<hbm>> -> memref<4096xi32, #tpu.memory_space<hbm>>
      tpu.wait_dma2 semaphore(%run_scoped3A : memref<!tpu.dma_semaphore, #tpu.memory_space<semaphore_mem>>) src(%dma_wait3A_176 : memref<4096xi32, #tpu.memory_space<hbm>>) dst(%arg6 : memref<4096xi32, #tpu.memory_space<vmem>>)
      tpu.yield
    }) : () -> ()
    %broadcast_in_dim3A = arith.constant 1 : i32
    %broadcast_in_dim3A_6 = vector.broadcast %broadcast_in_dim3A : i32 to vector<16xi32>
    %broadcast_in_dim3A_7 = arith.constant 0 : i32
    %broadcast_in_dim3A_8 = vector.broadcast %broadcast_in_dim3A_7 : i32 to vector<16xi32>
    %broadcast_in_dim3A_9 = arith.constant 0 : i32
    %broadcast_in_dim3A_10 = vector.broadcast %broadcast_in_dim3A_9 : i32 to vector<16xi32>
    %parallel_loop3A = arith.constant 0 : i32
    %parallel_loop3A_11 = arith.constant 256 : i32
    %parallel_loop3A_12 = arith.constant 1 : i32
    %parallel_loop3A_13 = scf.for %parallel_loop3A_173 = %parallel_loop3A to %parallel_loop3A_11 step %parallel_loop3A_12 iter_args(%parallel_loop3A_174 = %broadcast_in_dim3A_10) -> (vector<16xi32>)  : i32 {
      %parallel_loop3A_175 = arith.constant 16 : i32
      %parallel_loop3A_176 = arith.muli %parallel_loop3A_173, %parallel_loop3A_175 : i32
      %parallel_loop3A_177 = arith.index_cast %parallel_loop3A_176 : i32 to index
      %parallel_loop3A_178 = tpu.vector_load %arg6[%parallel_loop3A_177] {strides = array<i32>} : memref<4096xi32, #tpu.memory_space<vmem>>, vector<16xi32>,
      %parallel_loop3A_179 = arith.constant 15 : i32
      %parallel_loop3A_180 = vector.broadcast %parallel_loop3A_179 : i32 to vector<16xi32>
      %parallel_loop3A_181 = arith.andi %parallel_loop3A_178, %parallel_loop3A_180 : vector<16xi32>
      %parallel_loop3A_182 = arith.constant 1 : i32
      %parallel_loop3A_183 = vector.broadcast %parallel_loop3A_182 : i32 to vector<16xi32>
      %parallel_loop3A_184 = arith.cmpi eq, %parallel_loop3A_181, %parallel_loop3A_183 : vector<16xi32>
      %parallel_loop3A_185 = arith.select %parallel_loop3A_184, %broadcast_in_dim3A_6, %broadcast_in_dim3A_8 : vector<16xi1>, vector<16xi32>
      %parallel_loop3A_186 = arith.addi %parallel_loop3A_174, %parallel_loop3A_185 : vector<16xi32>
      scf.yield %parallel_loop3A_186 : vector<16xi32>
    } {sc.loop_unroll_factor = 16 : i64, sc.parallel_access}
    %reduce_sum3A = arith.constant true
    %reduce_sum3A_14 = vector.broadcast %reduce_sum3A : i1 to vector<16xi1>
    %reduce_sum3A_15 = tpu.scan <sum>, %parallel_loop3A_13 masked %reduce_sum3A_14 : vector<16xi32>, vector<16xi1> -> vector<16xi32>
    %reduce_sum3A_16 = vector.extract %reduce_sum3A_15[15] : i32 from vector<16xi32>
    %broadcast_in_dim3A_17 = vector.broadcast %reduce_sum3A_16 : i32 to vector<16xi32>
    %swap3A = arith.constant 0 : index
    %swap3A_18 = tpu.vector_load %arg10[%swap3A] {strides = array<i32>} : memref<16xi32, #tpu.memory_space<vmem>>, vector<16xi32>,
    tpu.vector_store %arg10[%swap3A], %broadcast_in_dim3A_17 {strides = array<i32>} : memref<16xi32, #tpu.memory_space<vmem>>, vector<16xi32>,
    %add3A = arith.constant 32 : i32
    %add3A_19 = arith.addi %add3A, %arg1 : i32
    "tpu.region"() ({
      %run_scoped3A = tpu.sem_alloc : memref<!tpu.dma_semaphore, #tpu.memory_space<semaphore_mem>>
      %dma_start3A_173 = arith.constant 0 : i32
      %dma_start3A_174 = tpu.memref_slice %arg12[%add3A_19, %dma_start3A_173] : memref<48x16xi32, #tpu.memory_space<vmem_shared>> -> memref<1x16xi32, #tpu.memory_space<vmem_shared>>
      %dma_start3A_175 = tpu.memref_squeeze %dma_start3A_174 : memref<1x16xi32, #tpu.memory_space<vmem_shared>> -> memref<16xi32, #tpu.memory_space<vmem_shared>>
      %dma_start3A_176 = arith.constant 0 : i32
      %dma_start3A_177 = tpu.memref_slice %arg12[%add3A_19, %dma_start3A_176] : memref<48x16xi32, #tpu.memory_space<vmem_shared>> -> memref<1x16xi32, #tpu.memory_space<vmem_shared>>
      %dma_start3A_178 = tpu.memref_squeeze %dma_start3A_177 : memref<1x16xi32, #tpu.memory_space<vmem_shared>> -> memref<16xi32, #tpu.memory_space<vmem_shared>>
      tpu.enqueue_dma source(%arg10 : memref<16xi32, #tpu.memory_space<vmem>>) target(%dma_start3A_178 : memref<16xi32, #tpu.memory_space<vmem_shared>>) target_semaphore(%run_scoped3A : memref<!tpu.dma_semaphore, #tpu.memory_space<semaphore_mem>>)
      %dma_wait3A_179 = arith.constant 0 : i32
      %dma_wait3A_180 = tpu.memref_slice %arg12[%add3A_19, %dma_wait3A_179] : memref<48x16xi32, #tpu.memory_space<vmem_shared>> -> memref<1x16xi32, #tpu.memory_space<vmem_shared>>
      %dma_wait3A_181 = tpu.memref_squeeze %dma_wait3A_180 : memref<1x16xi32, #tpu.memory_space<vmem_shared>> -> memref<16xi32, #tpu.memory_space<vmem_shared>>
      %dma_wait3A_182 = arith.constant 0 : i32
      %dma_wait3A_183 = tpu.memref_slice %arg12[%add3A_19, %dma_wait3A_182] : memref<48x16xi32, #tpu.memory_space<vmem_shared>> -> memref<1x16xi32, #tpu.memory_space<vmem_shared>>
      %dma_wait3A_184 = tpu.memref_squeeze %dma_wait3A_183 : memref<1x16xi32, #tpu.memory_space<vmem_shared>> -> memref<16xi32, #tpu.memory_space<vmem_shared>>
      tpu.wait_dma2 semaphore(%run_scoped3A : memref<!tpu.dma_semaphore, #tpu.memory_space<semaphore_mem>>) src(%arg10 : memref<16xi32, #tpu.memory_space<vmem>>) dst(%dma_wait3A_184 : memref<16xi32, #tpu.memory_space<vmem_shared>>)
      tpu.yield
    }) : () -> ()
    %barrier3A = arith.constant 0 : index
    tpu.barrier barrier_id(%barrier3A)
    "tpu.region"() ({
      %run_scoped3A = tpu.sem_alloc : memref<!tpu.dma_semaphore, #tpu.memory_space<semaphore_mem>>
      %dma_start3A_173 = arith.constant 32 : i32
      %dma_start3A_174 = arith.constant 0 : i32
      %dma_start3A_175 = tpu.memref_slice %arg12[%dma_start3A_173, %dma_start3A_174] : memref<48x16xi32, #tpu.memory_space<vmem_shared>> -> memref<16x16xi32, #tpu.memory_space<vmem_shared>>
      %dma_start3A_176 = arith.constant 32 : i32
      %dma_start3A_177 = arith.constant 0 : i32
      %dma_start3A_178 = tpu.memref_slice %arg12[%dma_start3A_176, %dma_start3A_177] : memref<48x16xi32, #tpu.memory_space<vmem_shared>> -> memref<16x16xi32, #tpu.memory_space<vmem_shared>>
      tpu.enqueue_dma source(%dma_start3A_178 : memref<16x16xi32, #tpu.memory_space<vmem_shared>>) target(%arg11 : memref<16x16xi32, #tpu.memory_space<vmem>>) target_semaphore(%run_scoped3A : memref<!tpu.dma_semaphore, #tpu.memory_space<semaphore_mem>>)
      %dma_wait3A_179 = arith.constant 32 : i32
      %dma_wait3A_180 = arith.constant 0 : i32
      %dma_wait3A_181 = tpu.memref_slice %arg12[%dma_wait3A_179, %dma_wait3A_180] : memref<48x16xi32, #tpu.memory_space<vmem_shared>> -> memref<16x16xi32, #tpu.memory_space<vmem_shared>>
      %dma_wait3A_182 = arith.constant 32 : i32
      %dma_wait3A_183 = arith.constant 0 : i32
      %dma_wait3A_184 = tpu.memref_slice %arg12[%dma_wait3A_182, %dma_wait3A_183] : memref<48x16xi32, #tpu.memory_space<vmem_shared>> -> memref<16x16xi32, #tpu.memory_space<vmem_shared>>
      tpu.wait_dma2 semaphore(%run_scoped3A : memref<!tpu.dma_semaphore, #tpu.memory_space<semaphore_mem>>) src(%dma_wait3A_184 : memref<16x16xi32, #tpu.memory_space<vmem_shared>>) dst(%arg11 : memref<16x16xi32, #tpu.memory_space<vmem>>)
      tpu.yield
    }) : () -> ()
    %broadcast_in_dim3A_20 = arith.constant 0 : i32
    %broadcast_in_dim3A_21 = vector.broadcast %broadcast_in_dim3A_20 : i32 to vector<16xi32>
    %gt3A = arith.constant 0 : i32
    %gt3A_22 = arith.cmpi sgt, %arg1, %gt3A : i32
    %get3A = arith.constant 0 : i32
    %get3A_23 = arith.index_cast %get3A : i32 to index
    %get3A_24 = arith.constant 0 : index
    %get3A_25 = tpu.vector_load %arg11[%get3A_23, %get3A_24] {strides = array<i32>} : memref<16x16xi32, #tpu.memory_space<vmem>>, vector<16xi32>,
    %add3A_26 = arith.addi %broadcast_in_dim3A_21, %get3A_25 : vector<16xi32>
    %select_n3A = arith.select %gt3A_22, %add3A_26, %broadcast_in_dim3A_21 : vector<16xi32>
    %gt3A_27 = arith.constant 1 : i32
    %gt3A_28 = arith.cmpi sgt, %arg1, %gt3A_27 : i32
    %get3A_29 = arith.constant 1 : i32
    %get3A_30 = arith.index_cast %get3A_29 : i32 to index
    %get3A_31 = arith.constant 0 : index
    %get3A_32 = tpu.vector_load %arg11[%get3A_30, %get3A_31] {strides = array<i32>} : memref<16x16xi32, #tpu.memory_space<vmem>>, vector<16xi32>,
    %add3A_33 = arith.addi %select_n3A, %get3A_32 : vector<16xi32>
    %select_n3A_34 = arith.select %gt3A_28, %add3A_33, %select_n3A : vector<16xi32>
    %gt3A_35 = arith.constant 2 : i32
    %gt3A_36 = arith.cmpi sgt, %arg1, %gt3A_35 : i32
    %get3A_37 = arith.constant 2 : i32
    %get3A_38 = arith.index_cast %get3A_37 : i32 to index
    %get3A_39 = arith.constant 0 : index
    %get3A_40 = tpu.vector_load %arg11[%get3A_38, %get3A_39] {strides = array<i32>} : memref<16x16xi32, #tpu.memory_space<vmem>>, vector<16xi32>,
    %add3A_41 = arith.addi %select_n3A_34, %get3A_40 : vector<16xi32>
    %select_n3A_42 = arith.select %gt3A_36, %add3A_41, %select_n3A_34 : vector<16xi32>
    %gt3A_43 = arith.constant 3 : i32
    %gt3A_44 = arith.cmpi sgt, %arg1, %gt3A_43 : i32
    %get3A_45 = arith.constant 3 : i32
    %get3A_46 = arith.index_cast %get3A_45 : i32 to index
    %get3A_47 = arith.constant 0 : index
    %get3A_48 = tpu.vector_load %arg11[%get3A_46, %get3A_47] {strides = array<i32>} : memref<16x16xi32, #tpu.memory_space<vmem>>, vector<16xi32>,
    %add3A_49 = arith.addi %select_n3A_42, %get3A_48 : vector<16xi32>
    %select_n3A_50 = arith.select %gt3A_44, %add3A_49, %select_n3A_42 : vector<16xi32>
    %gt3A_51 = arith.constant 4 : i32
    %gt3A_52 = arith.cmpi sgt, %arg1, %gt3A_51 : i32
    %get3A_53 = arith.constant 4 : i32
    %get3A_54 = arith.index_cast %get3A_53 : i32 to index
    %get3A_55 = arith.constant 0 : index
    %get3A_56 = tpu.vector_load %arg11[%get3A_54, %get3A_55] {strides = array<i32>} : memref<16x16xi32, #tpu.memory_space<vmem>>, vector<16xi32>,
    %add3A_57 = arith.addi %select_n3A_50, %get3A_56 : vector<16xi32>
    %select_n3A_58 = arith.select %gt3A_52, %add3A_57, %select_n3A_50 : vector<16xi32>
    %gt3A_59 = arith.constant 5 : i32
    %gt3A_60 = arith.cmpi sgt, %arg1, %gt3A_59 : i32
    %get3A_61 = arith.constant 5 : i32
    %get3A_62 = arith.index_cast %get3A_61 : i32 to index
    %get3A_63 = arith.constant 0 : index
    %get3A_64 = tpu.vector_load %arg11[%get3A_62, %get3A_63] {strides = array<i32>} : memref<16x16xi32, #tpu.memory_space<vmem>>, vector<16xi32>,
    %add3A_65 = arith.addi %select_n3A_58, %get3A_64 : vector<16xi32>
    %select_n3A_66 = arith.select %gt3A_60, %add3A_65, %select_n3A_58 : vector<16xi32>
    %gt3A_67 = arith.constant 6 : i32
    %gt3A_68 = arith.cmpi sgt, %arg1, %gt3A_67 : i32
    %get3A_69 = arith.constant 6 : i32
    %get3A_70 = arith.index_cast %get3A_69 : i32 to index
    %get3A_71 = arith.constant 0 : index
    %get3A_72 = tpu.vector_load %arg11[%get3A_70, %get3A_71] {strides = array<i32>} : memref<16x16xi32, #tpu.memory_space<vmem>>, vector<16xi32>,
    %add3A_73 = arith.addi %select_n3A_66, %get3A_72 : vector<16xi32>
    %select_n3A_74 = arith.select %gt3A_68, %add3A_73, %select_n3A_66 : vector<16xi32>
    %gt3A_75 = arith.constant 7 : i32
    %gt3A_76 = arith.cmpi sgt, %arg1, %gt3A_75 : i32
    %get3A_77 = arith.constant 7 : i32
    %get3A_78 = arith.index_cast %get3A_77 : i32 to index
    %get3A_79 = arith.constant 0 : index
    %get3A_80 = tpu.vector_load %arg11[%get3A_78, %get3A_79] {strides = array<i32>} : memref<16x16xi32, #tpu.memory_space<vmem>>, vector<16xi32>,
    %add3A_81 = arith.addi %select_n3A_74, %get3A_80 : vector<16xi32>
    %select_n3A_82 = arith.select %gt3A_76, %add3A_81, %select_n3A_74 : vector<16xi32>
    %gt3A_83 = arith.constant 8 : i32
    %gt3A_84 = arith.cmpi sgt, %arg1, %gt3A_83 : i32
    %get3A_85 = arith.constant 8 : i32
    %get3A_86 = arith.index_cast %get3A_85 : i32 to index
    %get3A_87 = arith.constant 0 : index
    %get3A_88 = tpu.vector_load %arg11[%get3A_86, %get3A_87] {strides = array<i32>} : memref<16x16xi32, #tpu.memory_space<vmem>>, vector<16xi32>,
    %add3A_89 = arith.addi %select_n3A_82, %get3A_88 : vector<16xi32>
    %select_n3A_90 = arith.select %gt3A_84, %add3A_89, %select_n3A_82 : vector<16xi32>
    %gt3A_91 = arith.constant 9 : i32
    %gt3A_92 = arith.cmpi sgt, %arg1, %gt3A_91 : i32
    %get3A_93 = arith.constant 9 : i32
    %get3A_94 = arith.index_cast %get3A_93 : i32 to index
    %get3A_95 = arith.constant 0 : index
    %get3A_96 = tpu.vector_load %arg11[%get3A_94, %get3A_95] {strides = array<i32>} : memref<16x16xi32, #tpu.memory_space<vmem>>, vector<16xi32>,
    %add3A_97 = arith.addi %select_n3A_90, %get3A_96 : vector<16xi32>
    %select_n3A_98 = arith.select %gt3A_92, %add3A_97, %select_n3A_90 : vector<16xi32>
    %gt3A_99 = arith.constant 10 : i32
    %gt3A_100 = arith.cmpi sgt, %arg1, %gt3A_99 : i32
    %get3A_101 = arith.constant 10 : i32
    %get3A_102 = arith.index_cast %get3A_101 : i32 to index
    %get3A_103 = arith.constant 0 : index
    %get3A_104 = tpu.vector_load %arg11[%get3A_102, %get3A_103] {strides = array<i32>} : memref<16x16xi32, #tpu.memory_space<vmem>>, vector<16xi32>,
    %add3A_105 = arith.addi %select_n3A_98, %get3A_104 : vector<16xi32>
    %select_n3A_106 = arith.select %gt3A_100, %add3A_105, %select_n3A_98 : vector<16xi32>
    %gt3A_107 = arith.constant 11 : i32
    %gt3A_108 = arith.cmpi sgt, %arg1, %gt3A_107 : i32
    %get3A_109 = arith.constant 11 : i32
    %get3A_110 = arith.index_cast %get3A_109 : i32 to index
    %get3A_111 = arith.constant 0 : index
    %get3A_112 = tpu.vector_load %arg11[%get3A_110, %get3A_111] {strides = array<i32>} : memref<16x16xi32, #tpu.memory_space<vmem>>, vector<16xi32>,
    %add3A_113 = arith.addi %select_n3A_106, %get3A_112 : vector<16xi32>
    %select_n3A_114 = arith.select %gt3A_108, %add3A_113, %select_n3A_106 : vector<16xi32>
    %gt3A_115 = arith.constant 12 : i32
    %gt3A_116 = arith.cmpi sgt, %arg1, %gt3A_115 : i32
    %get3A_117 = arith.constant 12 : i32
    %get3A_118 = arith.index_cast %get3A_117 : i32 to index
    %get3A_119 = arith.constant 0 : index
    %get3A_120 = tpu.vector_load %arg11[%get3A_118, %get3A_119] {strides = array<i32>} : memref<16x16xi32, #tpu.memory_space<vmem>>, vector<16xi32>,
    %add3A_121 = arith.addi %select_n3A_114, %get3A_120 : vector<16xi32>
    %select_n3A_122 = arith.select %gt3A_116, %add3A_121, %select_n3A_114 : vector<16xi32>
    %gt3A_123 = arith.constant 13 : i32
    %gt3A_124 = arith.cmpi sgt, %arg1, %gt3A_123 : i32
    %get3A_125 = arith.constant 13 : i32
    %get3A_126 = arith.index_cast %get3A_125 : i32 to index
    %get3A_127 = arith.constant 0 : index
    %get3A_128 = tpu.vector_load %arg11[%get3A_126, %get3A_127] {strides = array<i32>} : memref<16x16xi32, #tpu.memory_space<vmem>>, vector<16xi32>,
    %add3A_129 = arith.addi %select_n3A_122, %get3A_128 : vector<16xi32>
    %select_n3A_130 = arith.select %gt3A_124, %add3A_129, %select_n3A_122 : vector<16xi32>
    %gt3A_131 = arith.constant 14 : i32
    %gt3A_132 = arith.cmpi sgt, %arg1, %gt3A_131 : i32
    %get3A_133 = arith.constant 14 : i32
    %get3A_134 = arith.index_cast %get3A_133 : i32 to index
    %get3A_135 = arith.constant 0 : index
    %get3A_136 = tpu.vector_load %arg11[%get3A_134, %get3A_135] {strides = array<i32>} : memref<16x16xi32, #tpu.memory_space<vmem>>, vector<16xi32>,
    %add3A_137 = arith.addi %select_n3A_130, %get3A_136 : vector<16xi32>
    %select_n3A_138 = arith.select %gt3A_132, %add3A_137, %select_n3A_130 : vector<16xi32>
    %gt3A_139 = arith.constant 15 : i32
    %gt3A_140 = arith.cmpi sgt, %arg1, %gt3A_139 : i32
    %get3A_141 = arith.constant 15 : i32
    %get3A_142 = arith.index_cast %get3A_141 : i32 to index
    %get3A_143 = arith.constant 0 : index
    %get3A_144 = tpu.vector_load %arg11[%get3A_142, %get3A_143] {strides = array<i32>} : memref<16x16xi32, #tpu.memory_space<vmem>>, vector<16xi32>,
    %add3A_145 = arith.addi %select_n3A_138, %get3A_144 : vector<16xi32>
    %select_n3A_146 = arith.select %gt3A_140, %add3A_145, %select_n3A_138 : vector<16xi32>
    %reduce_max3A = arith.constant true
    %reduce_max3A_147 = vector.broadcast %reduce_max3A : i1 to vector<16xi1>
    %reduce_max3A_148 = arith.constant -2147483648 : i32
    %reduce_max3A_149 = vector.broadcast %reduce_max3A_148 : i32 to vector<16xi32>
    %reduce_max3A_150 = arith.xori %select_n3A_146, %reduce_max3A_149 : vector<16xi32>
    %reduce_max3A_151 = tpu.scan <max>, %reduce_max3A_150 masked %reduce_max3A_147 : vector<16xi32>, vector<16xi1> -> vector<16xi32>
    %reduce_max3A_152 = arith.xori %reduce_max3A_151, %reduce_max3A_149 : vector<16xi32>
    %reduce_max3A_153 = vector.extract %reduce_max3A_152[15] : i32 from vector<16xi32>
    %dma_wait3A = arith.constant 0 : i32
    %dma_wait3A_154 = tpu.memref_slice %arg4[%dma_wait3A] : memref<65536xi32, #tpu.memory_space<hbm>> -> memref<8192xi32, #tpu.memory_space<hbm>>
    %dma_wait3A_155 = arith.constant 0 : i32
    %dma_wait3A_156 = tpu.memref_slice %arg4[%dma_wait3A_155] : memref<65536xi32, #tpu.memory_space<hbm>> -> memref<8192xi32, #tpu.memory_space<hbm>>
    tpu.wait_dma2 semaphore(%arg14 : memref<!tpu.dma_semaphore, #tpu.memory_space<semaphore_mem>>) src(%dma_wait3A_156 : memref<8192xi32, #tpu.memory_space<hbm>>) dst(%arg8 : memref<8192xi32, #tpu.memory_space<vmem>>)
    %add3A_157 = arith.addi %reduce_max3A_153, %reduce_sum3A_16 : i32
    %gt3A_158 = arith.constant 8192 : i32
    %gt3A_159 = arith.cmpi sgt, %add3A_157, %gt3A_158 : i32
    %and3A = arith.constant -16 : i32
    %and3A_160 = arith.andi %reduce_max3A_153, %and3A : i32
    %min3A = arith.constant 61424 : i32
    %min3A_161 = arith.minsi %and3A_160, %min3A : i32
    %multiple_of3A = tpu.assume_multiple %min3A_161, 16 : i32
    %convert_element_type3A = arith.extui %gt3A_159 : i1 to i32
    %cond3A = arith.constant 0 : i32
    %cond3A_162 = arith.cmpi ne, %convert_element_type3A, %cond3A : i32
    scf.if %cond3A_162 {
      "tpu.region"() ({
        %run_scoped3A = tpu.sem_alloc : memref<!tpu.dma_semaphore, #tpu.memory_space<semaphore_mem>>
        %dma_start3A_173 = arith.constant 0 : i32
        %dma_start3A_174 = tpu.memref_slice %arg8[%dma_start3A_173] : memref<8192xi32, #tpu.memory_space<vmem>> -> memref<4112xi32, #tpu.memory_space<vmem>>
        %dma_start3A_175 = tpu.memref_slice %arg4[%multiple_of3A] : memref<65536xi32, #tpu.memory_space<hbm>> -> memref<4112xi32, #tpu.memory_space<hbm>>
        %dma_start3A_176 = arith.constant 0 : i32
        %dma_start3A_177 = tpu.memref_slice %arg8[%dma_start3A_176] : memref<8192xi32, #tpu.memory_space<vmem>> -> memref<4112xi32, #tpu.memory_space<vmem>>
        %dma_start3A_178 = tpu.memref_slice %arg4[%multiple_of3A] : memref<65536xi32, #tpu.memory_space<hbm>> -> memref<4112xi32, #tpu.memory_space<hbm>>
        tpu.enqueue_dma source(%dma_start3A_178 : memref<4112xi32, #tpu.memory_space<hbm>>) target(%dma_start3A_177 : memref<4112xi32, #tpu.memory_space<vmem>>) target_semaphore(%run_scoped3A : memref<!tpu.dma_semaphore, #tpu.memory_space<semaphore_mem>>)
        %dma_wait3A_179 = arith.constant 0 : i32
        %dma_wait3A_180 = tpu.memref_slice %arg8[%dma_wait3A_179] : memref<8192xi32, #tpu.memory_space<vmem>> -> memref<4112xi32, #tpu.memory_space<vmem>>
        %dma_wait3A_181 = tpu.memref_slice %arg4[%multiple_of3A] : memref<65536xi32, #tpu.memory_space<hbm>> -> memref<4112xi32, #tpu.memory_space<hbm>>
        %dma_wait3A_182 = arith.constant 0 : i32
        %dma_wait3A_183 = tpu.memref_slice %arg8[%dma_wait3A_182] : memref<8192xi32, #tpu.memory_space<vmem>> -> memref<4112xi32, #tpu.memory_space<vmem>>
        %dma_wait3A_184 = tpu.memref_slice %arg4[%multiple_of3A] : memref<65536xi32, #tpu.memory_space<hbm>> -> memref<4112xi32, #tpu.memory_space<hbm>>
        tpu.wait_dma2 semaphore(%run_scoped3A : memref<!tpu.dma_semaphore, #tpu.memory_space<semaphore_mem>>) src(%dma_wait3A_184 : memref<4112xi32, #tpu.memory_space<hbm>>) dst(%dma_wait3A_183 : memref<4112xi32, #tpu.memory_space<vmem>>)
        tpu.yield
      }) : () -> ()
    } else {
    }
    %broadcast_in_dim3A_163 = vector.broadcast %multiple_of3A : i32 to vector<16xi32>
    %sub3A = arith.subi %select_n3A_146, %broadcast_in_dim3A_163 : vector<16xi32>
    %select_n3A_164 = arith.select %gt3A_159, %sub3A, %select_n3A_146 : vector<16xi32>
    %dma_wait3A_165 = tpu.memref_slice %arg3[%mul3A_0] : memref<65536xi32, #tpu.memory_space<hbm>> -> memref<4096xi32, #tpu.memory_space<hbm>>
    %dma_wait3A_166 = tpu.memref_slice %arg3[%mul3A_0] : memref<65536xi32, #tpu.memory_space<hbm>> -> memref<4096xi32, #tpu.memory_space<hbm>>
    tpu.wait_dma2 semaphore(%arg13 : memref<!tpu.dma_semaphore, #tpu.memory_space<semaphore_mem>>) src(%dma_wait3A_166 : memref<4096xi32, #tpu.memory_space<hbm>>) dst(%arg7 : memref<4096xi32, #tpu.memory_space<vmem>>)
    %broadcast_in_dim3A_167 = arith.constant 0 : i32
    %broadcast_in_dim3A_168 = vector.broadcast %broadcast_in_dim3A_167 : i32 to vector<16xi32>
    %parallel_loop3A_169 = arith.constant 0 : i32
    %parallel_loop3A_170 = arith.constant 256 : i32
    %parallel_loop3A_171 = arith.constant 1 : i32
    %parallel_loop3A_172 = scf.for %parallel_loop3A_173 = %parallel_loop3A_169 to %parallel_loop3A_170 step %parallel_loop3A_171 iter_args(%parallel_loop3A_174 = %broadcast_in_dim3A_168) -> (vector<16xi32>)  : i32 {
      %parallel_loop3A_175 = arith.constant 16 : i32
      %parallel_loop3A_176 = arith.muli %parallel_loop3A_173, %parallel_loop3A_175 : i32
      %parallel_loop3A_177 = arith.index_cast %parallel_loop3A_176 : i32 to index
      %parallel_loop3A_178 = tpu.vector_load %arg6[%parallel_loop3A_177] {strides = array<i32>} : memref<4096xi32, #tpu.memory_space<vmem>>, vector<16xi32>,
      %parallel_loop3A_179 = arith.constant 15 : i32
      %parallel_loop3A_180 = vector.broadcast %parallel_loop3A_179 : i32 to vector<16xi32>
      %parallel_loop3A_181 = arith.andi %parallel_loop3A_178, %parallel_loop3A_180 : vector<16xi32>
      %parallel_loop3A_182 = arith.constant 1 : i32
      %parallel_loop3A_183 = vector.broadcast %parallel_loop3A_182 : i32 to vector<16xi32>
      %parallel_loop3A_184 = arith.cmpi eq, %parallel_loop3A_181, %parallel_loop3A_183 : vector<16xi32>
      %parallel_loop3A_185 = arith.select %parallel_loop3A_184, %broadcast_in_dim3A_6, %broadcast_in_dim3A_8 : vector<16xi1>, vector<16xi32>
      %parallel_loop3A_186 = arith.constant true
      %parallel_loop3A_187 = vector.broadcast %parallel_loop3A_186 : i1 to vector<16xi1>
      %parallel_loop3A_188 = tpu.scan <sum>, %parallel_loop3A_185 masked %parallel_loop3A_187 : vector<16xi32>, vector<16xi1> -> vector<16xi32>
      %parallel_loop3A_189 = arith.subi %parallel_loop3A_188, %parallel_loop3A_185 : vector<16xi32>
      %parallel_loop3A_190 = arith.addi %parallel_loop3A_189, %parallel_loop3A_174 : vector<16xi32>
      %parallel_loop3A_191 = arith.addi %parallel_loop3A_190, %select_n3A_164 : vector<16xi32>
      %parallel_loop3A_192 = arith.constant 8191 : i32
      %parallel_loop3A_193 = vector.broadcast %parallel_loop3A_192 : i32 to vector<16xi32>
      %parallel_loop3A_194 = arith.minsi %parallel_loop3A_191, %parallel_loop3A_193 : vector<16xi32>
      %parallel_loop3A_195 = tpu.vector_load_idx %arg8[%parallel_loop3A_194] : memref<8192xi32, #tpu.memory_space<vmem>>[vector<16xi32>], vector<16xi32>,
      %parallel_loop3A_196 = arith.constant 16 : i32
      %parallel_loop3A_197 = vector.broadcast %parallel_loop3A_196 : i32 to vector<16xi32>
      %parallel_loop3A_198 = arith.muli %parallel_loop3A_195, %parallel_loop3A_197 : vector<16xi32>
      %parallel_loop3A_199 = arith.constant 16 : i32
      %parallel_loop3A_200 = arith.muli %parallel_loop3A_173, %parallel_loop3A_199 : i32
      %parallel_loop3A_201 = arith.index_cast %parallel_loop3A_200 : i32 to index
      %parallel_loop3A_202 = tpu.vector_load %arg7[%parallel_loop3A_201] {strides = array<i32>} : memref<4096xi32, #tpu.memory_space<vmem>>, vector<16xi32>,
      %parallel_loop3A_203 = arith.constant 1 : i32
      %parallel_loop3A_204 = vector.broadcast %parallel_loop3A_203 : i32 to vector<16xi32>
      %parallel_loop3A_205 = arith.addi %parallel_loop3A_202, %parallel_loop3A_204 : vector<16xi32>
      %parallel_loop3A_206 = arith.select %parallel_loop3A_184, %parallel_loop3A_198, %parallel_loop3A_205 : vector<16xi1>, vector<16xi32>
      %parallel_loop3A_207 = arith.constant 16 : i32
      %parallel_loop3A_208 = arith.muli %parallel_loop3A_173, %parallel_loop3A_207 : i32
      %parallel_loop3A_209 = arith.index_cast %parallel_loop3A_208 : i32 to index
      %parallel_loop3A_210 = tpu.vector_load %arg9[%parallel_loop3A_209] {strides = array<i32>} : memref<4096xi32, #tpu.memory_space<vmem>>, vector<16xi32>,
      tpu.vector_store %arg9[%parallel_loop3A_209], %parallel_loop3A_206 {strides = array<i32>} : memref<4096xi32, #tpu.memory_space<vmem>>, vector<16xi32>,
      %parallel_loop3A_211 = tpu.all_reduce %parallel_loop3A_184 {dim = 0 : i64, kind = #tpu.reduction_kind<sum>} : vector<16xi1> -> vector<16xi32>
      %parallel_loop3A_212 = arith.addi %parallel_loop3A_174, %parallel_loop3A_211 : vector<16xi32>
      scf.yield %parallel_loop3A_212 : vector<16xi32>
    } {sc.loop_unroll_factor = 8 : i64, sc.parallel_access}
    "tpu.region"() ({
      %run_scoped3A = tpu.sem_alloc : memref<!tpu.dma_semaphore, #tpu.memory_space<semaphore_mem>>
      %dma_start3A_173 = tpu.memref_slice %arg5[%mul3A_0] : memref<65536xi32, #tpu.memory_space<hbm>> -> memref<4096xi32, #tpu.memory_space<hbm>>
      %dma_start3A_174 = tpu.memref_slice %arg5[%mul3A_0] : memref<65536xi32, #tpu.memory_space<hbm>> -> memref<4096xi32, #tpu.memory_space<hbm>>
      tpu.enqueue_dma source(%arg9 : memref<4096xi32, #tpu.memory_space<vmem>>) target(%dma_start3A_174 : memref<4096xi32, #tpu.memory_space<hbm>>) target_semaphore(%run_scoped3A : memref<!tpu.dma_semaphore, #tpu.memory_space<semaphore_mem>>)
      %dma_wait3A_175 = tpu.memref_slice %arg5[%mul3A_0] : memref<65536xi32, #tpu.memory_space<hbm>> -> memref<4096xi32, #tpu.memory_space<hbm>>
      %dma_wait3A_176 = tpu.memref_slice %arg5[%mul3A_0] : memref<65536xi32, #tpu.memory_space<hbm>> -> memref<4096xi32, #tpu.memory_space<hbm>>
      tpu.wait_dma2 semaphore(%run_scoped3A : memref<!tpu.dma_semaphore, #tpu.memory_space<semaphore_mem>>) src(%arg9 : memref<4096xi32, #tpu.memory_space<vmem>>) dst(%dma_wait3A_176 : memref<4096xi32, #tpu.memory_space<hbm>>)
      tpu.yield
    }) : () -> ()
    return
  }
}

</mosaic_0001>

<sc_bundles>
// kernel: kernel.3.cloned.1.call-start
scs
__scs_entry_jumppad:
0x0: {  	(pc) =	sbr.rel $0x88, $3  }
0x1: {  	(tag) =	ssettag $0x0;
	lr =	simm.s32 $0x1  }
0x2: {  	[smem:$0x3F9E] =	sst lr;
	_ =	strace $0xD0000000  }
0x3: {  	_ = 	snop  }
0x4: {  	_ = 	snop  }
0x5: {  	_ = 	snop  }
0x6: {  	_ = 	snop  }
0x7: {  	_ = 	snop  }
__scs_overlays_trampoline_lowered:
0x8: {  	[smem:$0x3FAD] =	sst s0  }
0x9: {  	[smem:$0x3FAE] =	sst s1  }
0xa: {  	[smem:$0x3FAF] =	sst s2  }
0xb: {  	[smem:$0x3FB0] =	sst s3  }
0xc: {  	[smem:$0x3FB1] =	sst s4  }
0xd: {  	[smem:$0x3FB2] =	sst s5  }
0xe: {  	[smem:$0x3FB3] =	sst s6  }
0xf: {  	[smem:$0x3FB4] =	sst s7  }
0x10: {  	[smem:$0x3FB5] =	sst s8  }
0x11: {  	[smem:$0x3FB6] =	sst s9;
	s0 =	simm.s32 @!p0 $0x0  }
0x12: {  	s1 =	sld [smem:$0x3F9C];
	s0 =	simm.s32 @p0 $0x1  }
0x13: {  	[smem:$0x3FB7] =	sst s0;
	s0 =	simm.s32 @!p1 $0x0  }
0x14: {  	s2 =	sld [smem:$0x3F9B];
	s0 =	simm.s32 @p1 $0x1  }
0x15: {  	[smem:$0x3FB8] =	sst s0;
	s0 =	simm.s32 @!p2 $0x0  }
0x16: {  	s3 =	sld [smem:$0x3FDB];
	s0 =	simm.s32 @p2 $0x1  }
0x17: {  	s4 =	simm.s32 $0x1BF5;
	[smem:$0x3FBA] =	sst s0  }
0x18: {  	s0 =	sld [smem:$0x3F9D];
	_ =	swait.ge [sflag:s4], $0x0  }
0x19: {  	s7 =	sld [smem:$0x3F9E]  }
0x1a: {  	s8 =	sadd.s32 $0xFFFFE003, lr  }
0x1b: {  	s9 =	sadd.s32 $0xFFFFFEF7, lr;
	s5 =	simm.s32 $0xFFFFFFFF;
	p2 =	slt.u32 s8, $0xFFFFF086  }
0x1c: {  	p1 =	slt.u32 s9, $0xF7A;
	s5 =	simm.s32 @!p2 $0x0  }
0x1d: {  	s5 =	simm.s32 @p1 $0x1;
	p0 =	seq.s32 s7, s2  }
0x1e: {  	s7 =	smul.u32 @!p0 $0xF7A, s2;
	p2 =	seq.s32 @!p0 s5, $0x0  }
0x1f: {  	s9 =	smul.u32 $0xF7A, s1;
	s8 =	simm.s32 @!p0 $0x1BF5;
	p2 =	por !p2, p0  }
0x20: {  	[sflag:s8] =	ssyncset.s32 @!p0 $0xFFFFF086;
	s6 =	sadd.s32 @!p0 s3, s7;
	s7 =	simm.s32 @!p0 $0x108  }
0x21: {  	s3 =	sadd.s32 s3, s9;
	s6 =	sadd.s32 @!p0 $0x88, s6;
	s7 =	simm.s32 @p2 $0x1082  }
0x22: {  	[simem:s7], [sflag:s8] =	dma.local @!p0 [hbm:s6], $0xF7A  }
0x23: {  	s9 =	sor.u32 $0xD0000000, s2;
	s6 =	simm.s32 $0x108;
	_ =	swait.ge @!p0 [sflag:s8], $0x0  }
0x24: {  	s3 =	sadd.s32 $0x88, s3;
	s6 =	simm.s32 @!p1 $0x1082;
	[sflag:s4] =	ssyncset.s32 $0xFFFFF086  }
0x25: {  	[simem:s6], [sflag:s4] =	dma.local [hbm:s3], $0xF7A  }
0x26: {  	[smem:$0x3F9E] =	sst s1;
	(tag) =	ssettag s2;
	_ =	strace s9  }
0x27: {  	s1 =	sld [smem:$0x3FAE]  }
0x28: {  	s2 =	sld [smem:$0x3FAF]  }
0x29: {  	s4 =	sld [smem:$0x3FB1]  }
0x2a: {  	p0 =	seq.s32 s5, $0x0;
	s5 =	sld [smem:$0x3FB2]  }
0x2b: {  	s6 =	sld [smem:$0x3FB3]  }
0x2c: {  	s7 =	sld [smem:$0x3FB4]  }
0x2d: {  	s3 =	simm.s32 $0x108;
	s8 =	sld [smem:$0x3FB5]  }
0x2e: {  	s3 =	simm.s32 @!p0 $0x1082;
	s9 =	sld [smem:$0x3FB6]  }
0x2f: {  	lr =	sadd.s32 s0, s3;
	s0 =	sld [smem:$0x3FAD]  }
0x30: {  	s3 =	sld [smem:$0x3FB0]  }
0x31: {  	[smem:$0x3FB9] =	sst s10  }
0x32: {  	s10 =	sld [smem:$0x3FB7];
	_ =	sdelay $0x3  }
0x33: {  	p0 =	seq.s32 s10, $0x1;
	s10 =	sld [smem:$0x3FB9];
	_ =	sdelay $0x3  }
0x34: {  	[smem:$0x3FB9] =	sst s10  }
0x35: {  	s10 =	sld [smem:$0x3FB8];
	_ =	sdelay $0x3  }
0x36: {  	p1 =	seq.s32 s10, $0x1;
	s10 =	sld [smem:$0x3FB9];
	_ =	sdelay $0x3  }
0x37: {  	[smem:$0x3FB9] =	sst s10  }
0x38: {  	s10 =	sld [smem:$0x3FBA]  }
0x39: {  	_ = 	snop;
	(pc) =	sbr.ind lr, $3  }
0x3a: {  	_ = 	snop  }
0x3b: {  	_ = 	snop  }
0x3c: {  	p2 =	seq.s32 s10, $0x1;
	s10 =	sld [smem:$0x3FB9]  }
0x3d: {  	_ =	shalt  }
0x3e: {  	_ =	shalt  }
0x3f: {  	_ =	shalt  }
0x40: {  	_ =	shalt  }
0x41: {  	_ =	shalt  }
0x42: {  	_ =	shalt  }
0x43: {  	_ =	shalt  }
0x44: {  	_ =	shalt  }
0x45: {  	_ =	shalt  }
0x46: {  	_ =	shalt  }
0x47: {  	_ =	shalt  }
0x48: {  	_ =	shalt  }
0x49: {  	_ =	shalt  }
0x4a: {  	_ =	shalt  }
0x4b: {  	_ =	shalt  }
0x4c: {  	_ =	shalt  }
0x4d: {  	_ =	shalt  }
0x4e: {  	_ =	shalt  }
0x4f: {  	_ =	shalt  }
0x50: {  	_ =	shalt  }
0x51: {  	_ =	shalt  }
0x52: {  	_ =	shalt  }
0x53: {  	_ =	shalt  }
0x54: {  	_ =	shalt  }
0x55: {  	_ =	shalt  }
0x56: {  	_ =	shalt  }
0x57: {  	_ =	shalt  }
0x58: {  	_ =	shalt  }
0x59: {  	_ =	shalt  }
0x5a: {  	_ =	shalt  }
0x5b: {  	_ =	shalt  }
0x5c: {  	_ =	shalt  }
0x5d: {  	_ =	shalt  }
0x5e: {  	_ =	shalt  }
0x5f: {  	_ =	shalt  }
0x60: {  	_ =	shalt  }
0x61: {  	_ =	shalt  }
0x62: {  	_ =	shalt  }
0x63: {  	_ =	shalt  }
0x64: {  	_ =	shalt  }
0x65: {  	_ =	shalt  }
0x66: {  	_ =	shalt  }
0x67: {  	_ =	shalt  }
0x68: {  	_ =	shalt  }
0x69: {  	_ =	shalt  }
0x6a: {  	_ =	shalt  }
0x6b: {  	_ =	shalt  }
0x6c: {  	_ =	shalt  }
0x6d: {  	_ =	shalt  }
0x6e: {  	_ =	shalt  }
0x6f: {  	_ =	shalt  }
0x70: {  	_ =	shalt  }
0x71: {  	_ =	shalt  }
0x72: {  	_ =	shalt  }
0x73: {  	_ =	shalt  }
0x74: {  	_ =	shalt  }
0x75: {  	_ =	shalt  }
0x76: {  	_ =	shalt  }
0x77: {  	_ =	shalt  }
0x78: {  	_ =	shalt  }
0x79: {  	_ =	shalt  }
0x7a: {  	_ =	shalt  }
0x7b: {  	_ =	shalt  }
0x7c: {  	_ =	shalt  }
0x7d: {  	_ =	shalt  }
0x7e: {  	_ =	shalt  }
0x7f: {  	_ =	shalt  }
0x80: {  	_ =	shalt  }
0x81: {  	_ =	shalt  }
0x82: {  	_ =	shalt  }
0x83: {  	_ =	shalt  }
0x84: {  	_ =	shalt  }
0x85: {  	_ =	shalt  }
0x86: {  	_ =	shalt  }
0x87: {  	_ =	shalt  }
.Lfunc_end0:
.L_simem_size_0:
called_computation_lowered:
.L_overlay_start_0:
0x88: {  	s0 =	sld [smem:$0x3FD9]  }
0x89: {  	s1 =	sld [smem:$0x3FFE];
	_ =	sdelay $0x3  }
0x8a: {  	s0 =	sadd.s32 s1, s0  }
0x8b: {  	[smem:$0x3FC5] =	sst s0  }
0x8c: {  	_ = 	snop  }
0x8d: {  	s0 =	sld [smem:$0x3FC9]  }
0x8e: {  	s17 =	sld [smem:$0x3FC8]  }
0x8f: {  	s2 =	sld [smem:$0x3FC7]  }
0x90: {  	s3 =	sld [smem:$0x3FD0];
	(tm) =	ssettm $0x1  }
0x91: {  	s4 =	sld [smem:$0x3FFB];
	_ =	sdelay $0x3  }
0x92: {  	_ =	strace s4  }
0x93: {  	s4 =	sld [smem:$0x3FFC];
	_ =	sdelay $0x3  }
0x94: {  	_ =	strace s4  }
0x95: {  	s4 =	sld [smem:$0x3FFD];
	_ =	sdelay $0x3  }
0x96: {  	_ =	strace s4  }
0x97: {  	_ =	strace $0x8FFFFFFF  }
0x98: {  	s18 =	sld [smem:$0x3FDB];
	_ =	sdelay $0x1  }
0x99: {  	s5 =	simm.s32 $_scs_section_size  }
0x9a: {  	s6 =	simm.s32 $_size__tile_overlayer_lowered;
	s7 =	simm.s32 $_tile_overlayer_lowered  }
0x9b: {  	s21 =	simm.s32 $0x1BFF;
	s20 =	sshll.u32 s7, $0x1;
	s4 =	sadd.s32 s5, s18  }
0x9c: {  	s8 =	simm.s32 $0x0;
	s19 =	sshll.u32 s6, $0x1;
	s6 =	sadd.s32 s20, s4  }
0x9d: {  	[timem:s8], [sflag:s21] =	dma.local [hbm:s6], s19  }
0x9e: {  	_ =	swait.ge [sflag:s21], s19  }
0x9f: {  	s5 =	ssub.s32 $0x0, s19;
	[sflag:s21] =	ssyncset.done $0x0  }
0xa0: {  	[sflag:s21] =	ssyncadd.s32 s5;
	_ =	sdelay $0x1  }
0xa1: {  	s22 =	simm.s32 $0x1B8B  }
0xa2: {  	_ =	swait.ge [sflag:s22], $0x1  }
0xa3: {  	[sflag:s22] =	ssyncset.done $0x0  }
0xa4: {  	s23 =	simm.s32 $0x1B8E;
	[sflag:s22] =	ssyncadd.s32 $0xFFFFFFFF  }
0xa5: {  	s24 =	simm.s32 $execute0_lowered;
	[smem:$0x3FD2] =	sst s23  }
0xa6: {  	s5 =	sshll.u32 s24, $0x1;
	_ =	strace $0x80000046;
	[dreg:$0x1] =	wrdreg $0xFFFFFFFF  }
0xa7: {  	s25 =	simm.s32 $_size_execute0_lowered;
	s4 =	sadd.s32 s4, s5;
	[dreg:$0x0] =	wrdreg $0x0  }
0xa8: {  	s5 =	sshll.u32 s25, $0x1;
	[dreg:$0x2] =	wrdreg s4  }
0xa9: {  	[dreg:$0x3] =	wrdreg s5  }
0xaa: {  	[dreg:$0x4] =	wrdreg $0xC0  }
0xab: {  	_ =	task [dreg:s8], $0x5FFFF  }
0xac: {  	[dreg:$0x1] =	wrdreg $0xFFFFFFFF  }
0xad: {  	[dreg:$0x0] =	wrdreg $0x60  }
0xae: {  	[dreg:$0x2] =	wrdreg s0  }
0xaf: {  	[dreg:$0x3] =	wrdreg s17  }
0xb0: {  	[dreg:$0x4] =	wrdreg s2  }
0xb1: {  	[dreg:$0x5] =	wrdreg s3  }
0xb2: {  	[dreg:$0x6] =	wrdreg $0x58800  }
0xb3: {  	[dreg:$0x7] =	wrdreg $0x9  }
0xb4: {  	_ =	task.clear_ibuf [dreg:s8], $0x8FFFF;
	_ =	strace $0x90000046  }
0xb5: {  	s26 =	simm.s32 $0x9;
	_ =	strace $0x80000048  }
0xb6: {  	_ =	swait.ge [sflag:s26], $0x1  }
0xb7: {  	[sflag:s26] =	ssyncadd.s32 $0xFFFFFFFF  }
0xb8: {  	_ =	strace $0x90000048  }
0xb9: {  	_ =	sfence  }
0xba: {  	s28 =	sld [smem:$0x0];
	_ =	sdelay $0x1  }
0xbb: {  	s29 =	srdreg.scid  }
0xbc: {  	s30 =	sshll.u32 s29, $0xD;
	s31 =	sshrl.u32 s29, $0x2  }
0xbd: {  	s1 =	sand.u32 $0x1, s29;
	s2 =	sand.u32 $0x4000, s30;
	s0 =	sadd.s32 s31, s28  }
0xbe: {  	s1 =	sor.u32 s2, s1;
	s0 =	sshll.u32 s0, $0x11  }
0xbf: {  	s0 =	sor.u32 s0, s1  }
0xc0: {  	s0 =	sadd.s32 $0x8F2B, s0  }
0xc1: {  	[sflag:s0] =	ssyncadd.remote.s32 $0x1  }
0xc2: {  	_ =	sfence.sel $0xFFFF  }
0xc3: {  	[dreg:$0x0] =	wrdreg $0xFFFFFFFF;
	(pc) =	sbr.abs _section_cstart, $3  }
0xc4: {  	[dreg:$0x1] =	wrdreg $0xFFFFFFFF  }
0xc5: {  	_ =	task.clear_ibuf [dreg:s8], $0x2FFFF;
	_ =	strace $0x9FFFFFFF  }
0xc6: {  	(tm) =	ssettm $0x7FFFFFFF  }
0xc7: {  	_ =	shalt  }
tec
execute0_lowered:
.L_overlay_start_1:
0x0: {  	(tag) =	ssettag $0x1  }
0x1: {  	s6 =	rddreg [dreg:$0x0]  }
0x2: {  	s7 =	rddreg [dreg:$0x1]  }
0x3: {  	s4 =	rddreg [dreg:$0x2]  }
0x4: {  	s2 =	rddreg [dreg:$0x3]  }
0x5: {  	s5 =	rddreg [dreg:$0x4]  }
0x6: {  	s0 =	rddreg [dreg:$0x5];
	s8 =	simm.s32 $0x0;
	s1 =	stileid.u32  }
0x7: {  	[smem:$0x7FF] =	sst s8;
	s3 =	sshll.u32 s1, $0x9  }
0x8: {  	s9 =	simm.s32 $0x1000;
	_ =	strace $0x80000047;
	s7 =	sadd.s32 s7, s3  }
0x9: {  	[tilespmem:s9], [sflag:$0x1] =	stream.linear.gather [hbm4b:s7+s8], $0x1000, $0x38;
	[tilespmem:$0x58B0] =	vst v63  }
0xa: {  	s29 =	simm.s32 $0x2000  }
0xb: {  	[tilespmem:s29], [sflag:$0x2] =	stream.linear.gather [hbm4b:s4+s8], $0x2000, $0x38;
	[tilespmem:$0x58B0] =	vst v63  }
0xc: {  	s30 =	simm.s32 $0x3;
	s6 =	sadd.s32 s6, s3  }
0xd: {  	[tilespmem:s8], [sflag:$0x3] =	stream.linear.gather [hbm4b:s6+s8], $0x1000, $0x38;
	[tilespmem:$0x58B0] =	vst v63  }
0xe: {  	_ =	swait.ge [sflag:s30], $0x1000  }
0xf: {  	[sflag:s30] =	ssyncset.done $0x0  }
0x10: {  	s31 =	simm.s32 $0x80;
	[sflag:s30] =	ssyncadd.s32 $0xFFFFF000  }
0x11: {  	v1 =	vld [tilespmem:s31+$0x70]  }
0x12: {  	v2 =	vld [tilespmem:s31+$0x60]  }
0x13: {  	v3 =	vld [tilespmem:s31+$0x50]  }
0x14: {  	v4 =	vld [tilespmem:s31+$0x40]  }
0x15: {  	v5 =	vld [tilespmem:s31+$0x30]  }
0x16: {  	v6 =	vld [tilespmem:s31+$0x20]  }
0x17: {  	v7 =	vld [tilespmem:s31+$0x10]  }
0x18: {  	v8 =	vld [tilespmem:s31+$0x0]  }
0x19: {  	v9 =	vld [tilespmem:s31+$0xFFFFFFF0]  }
0x1a: {  	v10 =	vld [tilespmem:s31+$0xFFFFFFE0]  }
0x1b: {  	v11 =	vld [tilespmem:s31+$0xFFFFFFD0]  }
0x1c: {  	v12 =	vld [tilespmem:s31+$0xFFFFFFC0]  }
0x1d: {  	v13 =	vld [tilespmem:s31+$0xFFFFFFB0]  }
0x1e: {  	v14 =	vld [tilespmem:s31+$0xFFFFFF80]  }
0x1f: {  	v0 =	vimm.s32 $0x0;
	v15 =	vld [tilespmem:s31+$0xFFFFFF90];
	v1 =	vand.u32 $0xF, v1  }
0x20: {  	v16 =	vld [tilespmem:s31+$0xFFFFFFA0];
	v4 =	vand.u32 $0xF, v4;
	v3 =	vand.u32 $0xF, v3;
	v2 =	vand.u32 $0xF, v2  }
0x21: {  	v7 =	vand.u32 $0xF, v7;
	v6 =	vand.u32 $0xF, v6;
	v5 =	vand.u32 $0xF, v5  }
0x22: {  	v10 =	vand.u32 $0xF, v10;
	v9 =	vand.u32 $0xF, v9;
	v8 =	vand.u32 $0xF, v8  }
0x23: {  	v14 =	vand.u32 $0xF, v14;
	v12 =	vand.u32 $0xF, v12;
	v11 =	vand.u32 $0xF, v11  }
0x24: {  	v13 =	vand.u32 $0xF, v13;
	vm0 =	veq.s32 v14, $0x1;
	v14 =	vand.u32 $0xF, v15  }
0x25: {  	v16 =	vand.u32 $0xF, v16;
	v15 =	vsel vm0, $0x1, v0;
	vm0 =	veq.s32 v14, $0x1  }
0x26: {  	s7 =	simm.s32 $0x180;
	s6 =	simm.s32 $0x0;
	v14 =	vadd.s32 v15, v0;
	v15 =	vsel vm0, $0x1, v0;
	vm0 =	veq.s32 v16, $0x1  }
.LBB2_1:
0x27: {  	v16 =	vld [tilespmem:s7+$0x70];
	v14 =	vadd.s32 v15, v14;
	v15 =	vsel vm0, $0x1, v0;
	vm0 =	veq.s32 v13, $0x1  }
0x28: {  	v13 =	vld [tilespmem:s7+$0x60];
	v14 =	vadd.s32 v15, v14;
	v15 =	vsel vm0, $0x1, v0;
	vm0 =	veq.s32 v12, $0x1  }
0x29: {  	v12 =	vld [tilespmem:s7+$0x50];
	v14 =	vadd.s32 v15, v14;
	v15 =	vsel vm0, $0x1, v0;
	vm0 =	veq.s32 v11, $0x1  }
0x2a: {  	v11 =	vld [tilespmem:s7+$0x40];
	v14 =	vadd.s32 v15, v14;
	v15 =	vsel vm0, $0x1, v0;
	vm0 =	veq.s32 v10, $0x1  }
0x2b: {  	v10 =	vld [tilespmem:s7+$0x30];
	v14 =	vadd.s32 v15, v14;
	v15 =	vsel vm0, $0x1, v0;
	vm0 =	veq.s32 v9, $0x1  }
0x2c: {  	v9 =	vld [tilespmem:s7+$0x20];
	v14 =	vadd.s32 v15, v14;
	v15 =	vsel vm0, $0x1, v0;
	vm0 =	veq.s32 v8, $0x1  }
0x2d: {  	v8 =	vld [tilespmem:s7+$0x10];
	v14 =	vadd.s32 v15, v14;
	v15 =	vsel vm0, $0x1, v0;
	vm0 =	veq.s32 v7, $0x1  }
0x2e: {  	v17 =	vld [tilespmem:s7+$0x0];
	v7 =	vadd.s32 v15, v14;
	v14 =	vsel vm0, $0x1, v0;
	vm0 =	veq.s32 v6, $0x1  }
0x2f: {  	v15 =	vld [tilespmem:s7+$0xFFFFFFF0];
	v6 =	vadd.s32 v14, v7;
	v7 =	vsel vm0, $0x1, v0;
	vm0 =	veq.s32 v5, $0x1  }
0x30: {  	v14 =	vld [tilespmem:s7+$0xFFFFFFE0];
	v5 =	vadd.s32 v7, v6;
	v6 =	vsel vm0, $0x1, v0;
	vm0 =	veq.s32 v4, $0x1  }
0x31: {  	v18 =	vld [tilespmem:s7+$0xFFFFFFD0];
	v4 =	vadd.s32 v6, v5;
	v5 =	vsel vm0, $0x1, v0;
	vm0 =	veq.s32 v3, $0x1  }
0x32: {  	v19 =	vld [tilespmem:s7+$0xFFFFFFC0];
	v3 =	vadd.s32 v5, v4;
	v4 =	vsel vm0, $0x1, v0;
	vm0 =	veq.s32 v2, $0x1  }
0x33: {  	v20 =	vld [tilespmem:s7+$0xFFFFFFB0];
	v2 =	vadd.s32 v4, v3;
	v3 =	vsel vm0, $0x1, v0;
	vm0 =	veq.s32 v1, $0x1  }
0x34: {  	s6 =	sadd.s32 $0x10, s6;
	v21 =	vld [tilespmem:s7+$0xFFFFFF80];
	v2 =	vadd.s32 v3, v2;
	v3 =	vsel vm0, $0x1, v0  }
0x35: {  	p0 =	slt.u32 s6, $0xF0;
	v1 =	vand.u32 $0xF, v16;
	v22 =	vld [tilespmem:s7+$0xFFFFFF90];
	v16 =	vadd.s32 v3, v2  }
0x36: {  	v4 =	vand.u32 $0xF, v11;
	v3 =	vand.u32 $0xF, v12;
	v2 =	vand.u32 $0xF, v13;
	v23 =	vld [tilespmem:s7+$0xFFFFFFA0]  }
0x37: {  	v6 =	vand.u32 $0xF, v9;
	v7 =	vand.u32 $0xF, v8;
	v5 =	vand.u32 $0xF, v10  }
.Ltmp0:
0x38: {  	v8 =	vand.u32 $0xF, v17;
	v9 =	vand.u32 $0xF, v15;
	v10 =	vand.u32 $0xF, v14;
	(pc) =	sbr.rel @p0 .LBB2_1-.Ltmp0, $4  }
0x39: {  	v11 =	vand.u32 $0xF, v18;
	v12 =	vand.u32 $0xF, v19;
	v13 =	vand.u32 $0xF, v21  }
0x3a: {  	vm0 =	veq.s32 v13, $0x1;
	v14 =	vand.u32 $0xF, v22;
	v13 =	vand.u32 $0xF, v20  }
0x3b: {  	v15 =	vsel vm0, $0x1, v0;
	vm0 =	veq.s32 v14, $0x1;
	v17 =	vand.u32 $0xF, v23  }
0x3c: {  	s7 =	sadd.s32 $0x100, s7;
	v14 =	vadd.s32 v15, v16;
	v15 =	vsel vm0, $0x1, v0;
	vm0 =	veq.s32 v17, $0x1  }
0x3d: {  	v14 =	vadd.s32 v15, v14;
	v15 =	vsel vm0, $0x1, v0;
	vm0 =	veq.s32 v13, $0x1  }
0x3e: {  	v13 =	vadd.s32 v15, v14;
	v14 =	vsel vm0, $0x1, v0;
	vm0 =	veq.s32 v12, $0x1  }
0x3f: {  	v12 =	vadd.s32 v14, v13;
	v13 =	vsel vm0, $0x1, v0;
	vm0 =	veq.s32 v11, $0x1  }
0x40: {  	v11 =	vadd.s32 v13, v12;
	v12 =	vsel vm0, $0x1, v0;
	vm0 =	veq.s32 v10, $0x1  }
0x41: {  	v10 =	vadd.s32 v12, v11;
	v11 =	vsel vm0, $0x1, v0;
	vm0 =	veq.s32 v9, $0x1  }
0x42: {  	v9 =	vadd.s32 v11, v10;
	v10 =	vsel vm0, $0x1, v0;
	vm0 =	veq.s32 v8, $0x1  }
0x43: {  	v8 =	vadd.s32 v10, v9;
	v9 =	vsel vm0, $0x1, v0;
	vm0 =	veq.s32 v7, $0x1  }
0x44: {  	v7 =	vadd.s32 v9, v8;
	v8 =	vsel vm0, $0x1, v0;
	vm0 =	veq.s32 v6, $0x1  }
0x45: {  	v6 =	vadd.s32 v8, v7;
	v7 =	vsel vm0, $0x1, v0;
	vm0 =	veq.s32 v5, $0x1  }
0x46: {  	v5 =	vadd.s32 v7, v6;
	v6 =	vsel vm0, $0x1, v0;
	vm0 =	veq.s32 v4, $0x1  }
0x47: {  	v4 =	vadd.s32 v6, v5;
	v5 =	vsel vm0, $0x1, v0;
	vm0 =	veq.s32 v3, $0x1  }
0x48: {  	v3 =	vadd.s32 v5, v4;
	v4 =	vsel vm0, $0x1, v0;
	vm0 =	veq.s32 v2, $0x1  }
0x49: {  	v2 =	vadd.s32 v4, v3;
	v3 =	vsel vm0, $0x1, v0;
	vm0 =	veq.s32 v1, $0x1  }
0x4a: {  	v1 =	vadd.s32 v3, v2;
	v0 =	vsel vm0, $0x1, v0  }
0x4b: {  	v0 =	vadd.s32 v0, v1  }
0x4c: {  	(xrf0) =	vadd.scan.msk.s32 $0xffff, v0;
	_ =	sdelay $0x5  }
0x4d: {  	v0, _, _ =	vpop (xrf0)  }
0x4e: {  	(v2sf) =	vpush v0, $0xF;
	_ =	sdelay $0xa  }
0x4f: {  	s6 =	sshrl.u32 s3, $0x2;
	v0 =	vbroadcast v0, $0xF  }
0x50: {  	s6 =	sadd.s32 s6, s5  }
0x51: {  	s7 =	simm.s32 $0x5000;
	s6 =	sadd.s32 $0x1000, s6;
	[tilespmem:$0x5000] =	vst v0  }
0x52: {  	[spmem:s6] =	stream.linear.scatter [tilespmem:s7], [sflag:$0x3], $0x80, $0x38;
	[tilespmem:$0x58B0] =	vst v63  }
0x53: {  	s23 =	simm.s32 $0x3;
	s22 =	spop (v2sf)  }
0x54: {  	_ =	swait.ge [sflag:s23], $0x80  }
0x55: {  	[sflag:s23] =	ssyncset.done $0x0  }
0x56: {  	[sflag:s23] =	ssyncadd.s32 $0xFFFFFF80  }
0x57: {  	s24 =	sadd.s32 $0x1000, s5;
	s8 =	simm.s32 $0x5080;
	[bflag:$0x0] =	sbarrier.arrive $0xFFFF  }
0x58: {  	[tilespmem:s8], [sflag:$0x3] =	stream.linear.gather [spmem:s24], $0x800, $0x38;
	[tilespmem:$0x58B0] =	vst v63  }
0x59: {  	_ =	swait.ge [sflag:s23], $0x800  }
0x5a: {  	[sflag:s23] =	ssyncset.done $0x0  }
0x5b: {  	[sflag:s23] =	ssyncadd.s32 $0xFFFFF800  }
0x5c: {  	v0 =	vld [tilespmem:$0x5080]  }
0x5d: {  	v1 =	vld [tilespmem:$0x5100]  }
0x5e: {  	v2 =	vld [tilespmem:$0x5180]  }
0x5f: {  	v3 =	vld [tilespmem:$0x5200]  }
0x60: {  	v4 =	vld [tilespmem:$0x5280]  }
0x61: {  	p0 =	seq.s32 s1, $0x0;
	p1 =	sgt.u32 s1, $0x1;
	v5 =	vld [tilespmem:$0x5300]  }
0x62: {  	p5 =	sgt.u32 s1, $0x2;
	v6 =	vld [tilespmem:$0x5380];
	v0 =	vpsel p0, $0x0, v0;
	v1 =	vpsel !p1, $0x0, v1  }
0x63: {  	p6 =	sgt.u32 s1, $0x3;
	v2 =	vpsel !p5, $0x0, v2;
	v0 =	vadd.s32 v0, v1;
	v1 =	vld [tilespmem:$0x5400]  }
0x64: {  	v3 =	vpsel !p6, $0x0, v3;
	p1 =	sgt.u32 s1, $0x4;
	v0 =	vadd.s32 v2, v0;
	v2 =	vld [tilespmem:$0x5480]  }
0x65: {  	p2 =	sgt.u32 s1, $0x5;
	v4 =	vpsel !p1, $0x0, v4;
	v0 =	vadd.s32 v3, v0;
	v3 =	vld [tilespmem:$0x5500]  }
0x66: {  	p3 =	sgt.u32 s1, $0x6;
	v5 =	vpsel !p2, $0x0, v5;
	v0 =	vadd.s32 v4, v0;
	v4 =	vld [tilespmem:$0x5580]  }
0x67: {  	p4 =	sgt.u32 s1, $0x7;
	v6 =	vpsel !p3, $0x0, v6;
	v0 =	vadd.s32 v5, v0;
	v5 =	vld [tilespmem:$0x5600]  }
0x68: {  	p5 =	sgt.u32 s1, $0x8;
	v1 =	vpsel !p4, $0x0, v1;
	v0 =	vadd.s32 v6, v0;
	v6 =	vld [tilespmem:$0x5680]  }
0x69: {  	p6 =	sgt.u32 s1, $0x9;
	v2 =	vpsel !p5, $0x0, v2;
	v0 =	vadd.s32 v1, v0;
	v1 =	vld [tilespmem:$0x5700]  }
0x6a: {  	p1 =	sgt.u32 s1, $0xA;
	v3 =	vpsel !p6, $0x0, v3;
	v0 =	vadd.s32 v2, v0;
	v2 =	vld [tilespmem:$0x5780]  }
0x6b: {  	p2 =	sgt.u32 s1, $0xB;
	v4 =	vpsel !p1, $0x0, v4;
	v0 =	vadd.s32 v3, v0  }
0x6c: {  	p3 =	sgt.u32 s1, $0xC;
	v3 =	vpsel !p2, $0x0, v5;
	v0 =	vadd.s32 v4, v0  }
0x6d: {  	p4 =	sgt.u32 s1, $0xD;
	v4 =	vpsel !p3, $0x0, v6;
	v0 =	vadd.s32 v3, v0  }
0x6e: {  	p5 =	seq.s32 s1, $0xF;
	v1 =	vpsel !p4, $0x0, v1;
	v0 =	vadd.s32 v4, v0  }
0x6f: {  	v0 =	vadd.s32 v1, v0;
	v1 =	vpsel !p5, $0x0, v2  }
0x70: {  	v1 =	vadd.s32 v1, v0  }
0x71: {  	v0 =	vxor.u32 $0x80000000, v1  }
0x72: {  	(xrf0) =	vmax.scan.msk.u32 $0xffff, v0;
	_ =	sdelay $0x5  }
0x73: {  	v0, _, _ =	vpop (xrf0)  }
0x74: {  	(v2sf) =	vpush v0, $0xF;
	_ =	sdelay $0xe  }
0x75: {  	s25 =	spop (v2sf)  }
0x76: {  	s5 =	sxor.u32 $0x80000000, s25  }
0x77: {  	s26 =	simm.s32 $0x2;
	s8 =	sand.u32 $0xFFFFFFF0, s5  }
0x78: {  	_ =	swait.ge [sflag:s26], $0x2000;
	s5 =	sadd.s32 s22, s5;
	p0 =	slt.s32 s8, $0xEFF0  }
0x79: {  	[sflag:s26] =	ssyncset.done $0x0;
	s8 =	simm.s32 @!p0 $0xEFF0;
	p0 =	slt.s32 s5, $0x2001  }
0x7a: {  	[sflag:s26] =	ssyncadd.s32 $0xFFFFE000;
	s6 =	sshrl.u32 @!p0 s8, $0x3  }
0x7b: {  	s7 =	simm.s32 @!p0 $0x2000;
	s4 =	sadd.s32 @!p0 s4, s6;
	s6 =	simm.s32 @!p0 $0x0  }
0x7c: {  	[tilespmem:s7], [sflag:$0x3] =	stream.linear.gather @!p0 [hbm4b:s4+s6], $0x1010, $0x38;
	[tilespmem:$0x58B0] =	vst v63  }
0x7d: {  	s4 =	simm.s32 @!p0 $0x3  }
0x7e: {  	_ =	swait.ge @!p0 [sflag:s4], $0x1010  }
0x7f: {  	[sflag:s4] =	ssyncset.done @!p0 $0x0  }
0x80: {  	s28 =	simm.s32 $0x1;
	[sflag:s4] =	ssyncadd.s32 @!p0 $0xFFFFEFF0  }
0x81: {  	_ =	swait.ge [sflag:s28], $0x1000  }
0x82: {  	[sflag:s28] =	ssyncset.done $0x0  }
0x83: {  	s29 =	simm.s32 $0x40;
	[sflag:s28] =	ssyncadd.s32 $0xFFFFF000  }
0x84: {  	v0 =	vld [tilespmem:s29+$0xFFFFFFC0]  }
0x85: {  	v2 =	vld [tilespmem:s29+$0xFFFFFFD0]  }
0x86: {  	v3 =	vld [tilespmem:s29+$0x30]  }
0x87: {  	p6 =	sgt.s32 s5, $0x2000;
	v5 =	vmov s8;
	v4 =	vld [tilespmem:s29+$0x20]  }
0x88: {  	v5 =	vpsel !p6, $0x0, v5;
	v6 =	vld [tilespmem:s29+$0xFFFFFFF0]  }
0x89: {  	s30 =	simm.s32 $0x1040;
	v1 =	vsub.s32 v1, v5;
	v5 =	vld [tilespmem:s29+$0xFFFFFFE0]  }
0x8a: {  	v17 =	vld [tilespmem:s30+$0xFFFFFFF0];
	_ =	sdelay $0x1  }
0x8b: {  	v8 =	vld [tilespmem:s29+$0x10]  }
0x8c: {  	v7 =	vand.u32 $0xF, v0;
	v0 =	vimm.s32 $0x0  }
0x8d: {  	v3 =	vand.u32 $0xF, v3;
	v2 =	vand.u32 $0xF, v2;
	v4 =	vand.u32 $0xF, v4  }
0x8e: {  	v6 =	vand.u32 $0xF, v6;
	v5 =	vand.u32 $0xF, v5;
	v17 =	vadd.s32 $0x1, v17  }
0x8f: {  	vm0 =	veq.s32 v7, $0x1;
	v9 =	vadd.s32 v1, v0;
	vm1 =	veq.s32 v2, $0x1  }
0x90: {  	v2 =	vand.u32 $0xF, v8;
	vm5 =	veq.s32 v6, $0x1;
	vm2 =	veq.s32 v5, $0x1  }
0x91: {  	vm3 =	veq.s32 v3, $0x1;
	vm7 =	veq.s32 v4, $0x1;
	v7 =	vsel vm0, $0x1, v0  }
0x92: {  	v10 =	vmpcnt.ones.xlane vm0;
	v11 =	vsel vm0, $0xFFFFFFFF, v0;
	v8 =	vsel vm1, $0xFFFFFFFF, v0  }
0x93: {  	v6 =	vsel vm1, $0x1, v0;
	v13 =	vmpcnt.ones.xlane vm5;
	vm6 =	veq.s32 v2, $0x1  }
0x94: {  	v2 =	vsel vm5, $0x1, v0;
	v3 =	vsel vm5, $0xFFFFFFFF, v0;
	v4 =	vsel vm3, $0x1, v0;
	(xrf0) =	vadd.scan.msk.s32 $0xffff, v7;
	v7 =	vld [tilespmem:s29+$0x0]  }
0x95: {  	v20 =	vsel vm2, $0xFFFFFFFF, v0;
	vm13 =	vmmov vm1;
	vm12 =	vmmov vm5;
	(xrf0) =	vadd.scan.msk.s32 $0xffff, v6  }
0x96: {  	vm11 =	vmmov vm7;
	v14 =	vsel vm6, $0xFFFFFFFF, v0;
	(xrf0) =	vadd.scan.msk.s32 $0xffff, v2;
	v2 =	vmpcnt.ones.xlane vm1  }
0x97: {  	vm9 =	vmmov vm6;
	v10 =	vadd.s32 v0, v10;
	v6 =	vsel vm2, $0x1, v0  }
0x98: {  	v12 =	vadd.s32 v1, v10;
	(xrf0) =	vadd.scan.msk.s32 $0xffff, v6;
	v6 =	vmpcnt.ones.xlane vm7;
	v2 =	vadd.s32 v10, v2  }
0x99: {  	v5 =	vand.u32 $0xF, v7;
	v7 =	vadd.s32 v11, v9;
	v11 =	vmpcnt.ones.xlane vm2  }
0x9a: {  	v9, _, _ =	vpop (xrf0);
	vm4 =	veq.s32 v5, $0x1;
	v5 =	vadd.s32 v8, v12;
	v8 =	vsel vm7, $0x1, v0  }
0x9b: {  	v10 =	vsel vm6, $0x1, v0;
	v7 =	vadd.s32 v9, v7;
	(xrf0) =	vadd.scan.msk.s32 $0xffff, v8;
	v8 =	vadd.s32 v2, v11  }
0x9c: {  	v9 =	vmpcnt.ones.xlane vm4;
	v11 =	vmpcnt.ones.xlane vm6;
	v2 =	vadd.s32 v1, v2  }
0x9d: {  	v18 =	vsel vm4, $0xFFFFFFFF, v0;
	vm10 =	vmmov vm4;
	vm8 =	vlt.s32 v7, $0x1FFF  }
0x9e: {  	v12, _, _ =	vpop (xrf0);
	(xrf0) =	vadd.scan.msk.s32 $0xffff, v4;
	v4 =	vadd.s32 v8, v13;
	v13 =	vmpcnt.ones.xlane vm3;
	v2 =	vadd.s32 v20, v2  }
0x9f: {  	v5 =	vadd.s32 v12, v5;
	v7 =	vnsel vm8, $0x1FFF, v7;
	(xrf0) =	vadd.scan.msk.s32 $0xffff, v10;
	v10 =	vsel vm4, $0x1, v0  }
0xa0: {  	v12 =	vld [tilespmem:s30+$0x10];
	v8 =	vadd.s32 v1, v8;
	v9 =	vadd.s32 v4, v9;
	v4 =	vadd.s32 v1, v4  }
0xa1: {  	v22 =	vld [tilespmem:s30+$0xFFFFFFC0];
	(xrf0) =	vadd.scan.msk.s32 $0xffff, v10;
	v15 =	vadd.s32 v1, v9;
	v9 =	vadd.s32 v9, v11;
	v4 =	vadd.s32 v18, v4  }
0xa2: {  	v23 =	vld [tilespmem:s30+$0x0];
	v18 =	vsel vm3, $0xFFFFFFFF, v0;
	v14 =	vadd.s32 v14, v15;
	v6 =	vadd.s32 v9, v6;
	v10, _, _ =	vpop (xrf0)  }
0xa3: {  	s4 =	simm.s32 $0x2000;
	v11 =	vld [tilespmem:s30+$0x20];
	v15 =	vsel vm7, $0xFFFFFFFF, v0;
	v9 =	vadd.s32 v1, v9;
	v13 =	vadd.s32 v6, v13;
	v16, _, _ =	vpop (xrf0)  }
0xa4: {  	v9 =	vadd.s32 v15, v9;
	v6 =	vadd.s32 v1, v6;
	v19, _, _ =	vpop (xrf0);
	v7 =	vld.idx.msk [tilespmem:v7+s4+$0x0], $0xffff;
	v2 =	vadd.s32 v16, v2  }
0xa5: {  	s31 =	simm.s32 $0xC0;
	v6 =	vadd.s32 v18, v6;
	v12 =	vadd.s32 $0x1, v12;
	v16 =	vld [tilespmem:s30+$0xFFFFFFD0];
	v21, _, _ =	vpop (xrf0);
	vm8 =	vlt.s32 v2, $0x1FFF  }
0xa6: {  	v9 =	vadd.s32 v19, v9;
	v19 =	vadd.s32 $0x1, v22;
	v22 =	vld [tilespmem:s31+$0xFFFFFFF0];
	v20, _, _ =	vpop (xrf0);
	v2 =	vnsel vm8, $0x1FFF, v2  }
0xa7: {  	v18 =	vld [tilespmem:s30+$0x30];
	v24 =	vadd.s32 v1, v13;
	v6 =	vadd.s32 v21, v6;
	vm1 =	vlt.s32 v9, $0x1FFF;
	v15, _, _ =	vpop (xrf0)  }
0xa8: {  	v14 =	vadd.s32 v20, v14;
	v20 =	vld [tilespmem:s31+$0xFFFFFFD0];
	v9 =	vnsel vm1, $0x1FFF, v9;
	v4 =	vadd.s32 v15, v4  }
0xa9: {  	v15 =	vld [tilespmem:s30+$0xFFFFFFE0];
	vm14 =	vlt.s32 v14, $0x1FFF;
	vm8 =	vlt.s32 v4, $0x1FFF;
	v7 =	vshll.u32 v7, $0x4  }
0xaa: {  	v16 =	vadd.s32 $0x1, v16;
	v14 =	vnsel vm14, $0x1FFF, v14;
	v7 =	vsel vm0, v7, v19;
	v19 =	vld [tilespmem:s31+$0xFFFFFFC0]  }
0xab: {  	vm0 =	vlt.s32 v5, $0x1FFF;
	v22 =	vand.u32 $0xF, v22;
	v4 =	vnsel vm8, $0x1FFF, v4;
	v21 =	vld.idx.msk [tilespmem:v2+s4+$0x0], $0xffff  }
0xac: {  	v5 =	vnsel vm0, $0x1FFF, v5;
	vm0 =	vmmov vm3;
	v2 =	vadd.s32 v3, v8;
	v3 =	vld [tilespmem:s31+$0x30]  }
0xad: {  	vm4 =	veq.s32 v22, $0x1;
	v8 =	vadd.s32 v10, v2;
	v10 =	vld [tilespmem:s31+$0x20];
	v2 =	vadd.s32 $0x1, v18  }
0xae: {  	v18 =	vadd.s32 $0x1, v23;
	v23 =	vadd.s32 $0x1, v11;
	v20 =	vand.u32 $0xF, v20  }
0xaf: {  	v11 =	vld [tilespmem:s31+$0x10];
	vm1 =	vlt.s32 v8, $0x1FFF;
	v15 =	vadd.s32 $0x1, v15;
	vm3 =	veq.s32 v20, $0x1  }
0xb0: {  	v8 =	vnsel vm1, $0x1FFF, v8;
	v20 =	vsel vm3, $0xFFFFFFFF, v0;
	v19 =	vand.u32 $0xF, v19  }
0xb1: {  	v22 =	vsel vm3, $0x1, v0;
	v21 =	vshll.u32 v21, $0x4;
	vm1 =	veq.s32 v19, $0x1  }
0xb2: {  	v3 =	vand.u32 $0xF, v3;
	v19 =	vsel vm2, v21, v15;
	v10 =	vand.u32 $0xF, v10  }
0xb3: {  	v5 =	vld.idx.msk [tilespmem:v5+s4+$0x0], $0xffff;
	v25 =	vsel vm1, $0x1, v0;
	v26 =	vmpcnt.ones.xlane vm1;
	vm2 =	vlt.s32 v6, $0x1FFF  }
0xb4: {  	v15 =	vld [tilespmem:s31+$0xFFFFFFE0];
	v27 =	vsel vm1, $0xFFFFFFFF, v0;
	v11 =	vand.u32 $0xF, v11;
	vm5 =	veq.s32 v3, $0x1  }
0xb5: {  	v21 =	vld [tilespmem:s31+$0x0];
	v3 =	vsel vm4, $0xFFFFFFFF, v0;
	v6 =	vnsel vm2, $0x1FFF, v6;
	vm6 =	veq.s32 v11, $0x1  }
0xb6: {  	(xrf0) =	vadd.scan.msk.s32 $0xffff, v25;
	v11 =	vsel vm4, $0x1, v0;
	vm8 =	veq.s32 v10, $0x1;
	v10 =	vsel vm5, $0x1, v0;
	v8 =	vld.idx.msk [tilespmem:v8+s4+$0x0], $0xffff  }
0xb7: {  	v13 =	vadd.s32 v13, v26;
	v26 =	vmpcnt.ones.xlane vm4;
	(xrf0) =	vadd.scan.msk.s32 $0xffff, v22;
	v22 =	vmpcnt.ones.xlane vm8  }
0xb8: {  	v30 =	vsel vm8, $0xFFFFFFFF, v0;
	v25 =	vadd.s32 v1, v13;
	v5 =	vshll.u32 v5, $0x4  }
0xb9: {  	v15 =	vand.u32 $0xF, v15;
	v16 =	vsel vm13, v5, v16;
	v5 =	vadd.s32 v20, v25  }
0xba: {  	v20 =	vsel vm8, $0x1, v0;
	v25 =	vmpcnt.ones.xlane vm5;
	vm2 =	veq.s32 v15, $0x1  }
0xbb: {  	v15 =	vand.u32 $0xF, v21;
	v21 =	vadd.s32 v27, v24;
	v6 =	vld.idx.msk [tilespmem:v6+s4+$0x0], $0xffff;
	v8 =	vshll.u32 v8, $0x4  }
0xbc: {  	v32 =	vld.idx.msk [tilespmem:v14+s4+$0x0], $0xffff;
	(xrf0) =	vadd.scan.msk.s32 $0xffff, v11;
	v24 =	vmpcnt.ones.xlane vm2;
	v27, _, _ =	vpop (xrf0);
	vm7 =	veq.s32 v15, $0x1;
	v15 =	vsel vm2, $0x1, v0  }
0xbd: {  	v21 =	vadd.s32 v27, v21;
	v17 =	vsel vm12, v8, v17;
	v8 =	vmpcnt.ones.xlane vm3;
	v27 =	vld.idx.msk [tilespmem:v9+s4+$0x0], $0xffff;
	(xrf0) =	vadd.scan.msk.s32 $0xffff, v15  }
0xbe: {  	v9 =	vmpcnt.ones.xlane vm7;
	v14 =	vsel vm7, $0xFFFFFFFF, v0;
	vm12 =	vlt.s32 v21, $0x1FFF;
	(xrf0) =	vadd.scan.msk.s32 $0xffff, v20;
	v20 =	vld.idx.msk [tilespmem:v4+s4+$0x0], $0xffff  }
0xbf: {  	v4 =	vsel vm6, $0x1, v0;
	v21 =	vnsel vm12, $0x1FFF, v21;
	v13 =	vadd.s32 v13, v8  }
0xc0: {  	v8 =	vadd.s32 v13, v24;
	v11 =	vshll.u32 v6, $0x4;
	v6 =	vmpcnt.ones.xlane vm6  }
0xc1: {  	s5 =	simm.s32 $0x4040;
	(xrf0) =	vadd.scan.msk.s32 $0xffff, v10;
	v24 =	vadd.s32 v8, v26;
	v26 =	vadd.s32 v1, v13;
	v13 =	vsel vm7, $0x1, v0  }
0xc2: {  	s6 =	simm.s32 $0x10C0;
	[tilespmem:s5+$0xFFFFFFF0] =	vst v17;
	v10 =	vsel vm6, $0xFFFFFFFF, v0;
	(xrf0) =	vadd.scan.msk.s32 $0xffff, v4;
	v9 =	vadd.s32 v24, v9  }
0xc3: {  	v17 =	vld [tilespmem:s6+$0x30];
	v15, _, _ =	vpop (xrf0);
	(xrf0) =	vadd.scan.msk.s32 $0xffff, v13;
	v28 =	vadd.s32 v1, v9;
	v29 =	vadd.s32 v9, v6;
	v20 =	vshll.u32 v20, $0x4  }
0xc4: {  	v4 =	vld [tilespmem:s6+$0x20];
	v28 =	vadd.s32 v10, v28;
	v31 =	vadd.s32 v29, v22;
	v13, _, _ =	vpop (xrf0);
	v10 =	vshll.u32 v27, $0x4  }
0xc5: {  	[tilespmem:s5+$0xFFFFFFC0] =	vst v7;
	v6 =	vld [tilespmem:s6+$0xFFFFFFF0];
	v7 =	vadd.s32 v1, v29;
	v20 =	vsel vm10, v20, v18;
	v9 =	vadd.s32 v31, v25;
	v25, _, _ =	vpop (xrf0)  }
0xc6: {  	[tilespmem:s5+$0xFFFFFFE0] =	vst v19;
	v21 =	vld.idx.msk [tilespmem:v21+s4+$0x0], $0xffff;
	v27 =	vsel vm11, v10, v23;
	v23 =	vadd.s32 v1, v24;
	v24 =	vsel vm2, $0xFFFFFFFF, v0;
	v22, _, _ =	vpop (xrf0)  }
0xc7: {  	[tilespmem:s5+$0xFFFFFFD0] =	vst v16;
	v18 =	vld [tilespmem:s6+$0xFFFFFFE0];
	v62 =	vadd.s32 v1, v31;
	v61 =	vadd.s32 v14, v23;
	v19 =	vadd.s32 v24, v26;
	v26, _, _ =	vpop (xrf0)  }
0xc8: {  	v10 =	vld [tilespmem:s6+$0xFFFFFFD0];
	v24 =	vsel vm5, $0xFFFFFFFF, v0;
	[tilespmem:s5+$0x20] =	vst v27;
	v27 =	vshll.u32 v32, $0x4;
	v19 =	vadd.s32 v25, v19;
	v16, _, _ =	vpop (xrf0)  }
0xc9: {  	v23 =	vld [tilespmem:s6+$0xFFFFFFC0];
	v25 =	vadd.s32 v30, v7;
	v63 =	vadd.s32 v24, v62;
	v7 =	vadd.s32 v16, v28;
	v16, _, _ =	vpop (xrf0)  }
0xca: {  	s2 =	sadd.s32 s2, s3;
	s9 =	simm.s32 $0x140;
	v14 =	vld [tilespmem:s6+$0x0];
	v12 =	vsel vm9, v27, v12;
	vm10 =	vlt.s32 v19, $0x1FFF;
	v16 =	vadd.s32 v16, v61  }
0xcb: {  	s3 =	simm.s32 $0x40C0;
	s8 =	simm.s32 $0x40C0;
	s7 =	simm.s32 $0x8;
	[tilespmem:s5+$0x0] =	vst v20;
	v20 =	vadd.s32 v26, v63;
	v24 =	vnsel vm10, $0x1FFF, v19;
	v19 =	vld [tilespmem:s6+$0x10];
	vm12 =	vlt.s32 v16, $0x1FFF  }
.LBB2_3:
0xcc: {  	v5 =	vadd.s32 v15, v5;
	v15 =	vadd.s32 v22, v25;
	v2 =	vsel vm0, v11, v2  }
0xcd: {  	v26 =	vld [tilespmem:s9+$0xFFFFFFD0];
	s7 =	sadd.s32 $0x8, s7;
	s6 =	sadd.s32 $0x80, s6;
	s8 =	sadd.s32 $0x80, s8;
	[tilespmem:s5+$0x10] =	vst v12;
	vm14 =	vmmov vm3;
	vm13 =	vmmov vm4;
	vm9 =	vmmov vm6  }
0xce: {  	v12 =	vshll.u32 v21, $0x4;
	v11 =	vld [tilespmem:s9+$0x30];
	p0 =	slt.u32 s7, $0xF8;
	v21 =	vadd.s32 $0x1, v23;
	vm0 =	vlt.s32 v15, $0x1FFF;
	[tilespmem:s5+$0x30] =	vst v2;
	s5 =	smov.u32 s3;
	s3 =	smov.u32 s8  }
0xcf: {  	v22 =	vld [tilespmem:s9+$0xFFFFFFC0];
	v2 =	vsel vm1, v12, v21;
	vm1 =	vlt.s32 v5, $0x1FFF;
	v15 =	vnsel vm0, $0x1FFF, v15  }
0xd0: {  	vm0 =	vmmov vm5;
	[tilespmem:s5+$0xFFFFFFC0] =	vst v2;
	v5 =	vnsel vm1, $0x1FFF, v5;
	v21 =	vld.idx.msk [tilespmem:v24+s4+$0x0], $0xffff;
	v2 =	vadd.s32 v1, v8  }
0xd1: {  	vm10 =	vmmov vm7;
	vm11 =	vmmov vm8;
	v8 =	vld [tilespmem:s9+$0x20];
	v2 =	vadd.s32 v3, v2  }
0xd2: {  	v3 =	vld [tilespmem:s9+$0x10];
	v13 =	vadd.s32 v13, v2  }
0xd3: {  	v12 =	vadd.s32 $0x1, v19;
	v2 =	vadd.s32 $0x1, v17;
	vm1 =	vlt.s32 v13, $0x1FFF  }
0xd4: {  	v18 =	vadd.s32 $0x1, v18;
	v17 =	vadd.s32 $0x1, v14;
	v19 =	vld [tilespmem:s9+$0xFFFFFFF0];
	v13 =	vnsel vm1, $0x1FFF, v13  }
0xd5: {  	v10 =	vadd.s32 $0x1, v10;
	v6 =	vadd.s32 $0x1, v6;
	v23 =	vadd.s32 $0x1, v4;
	v5 =	vld.idx.msk [tilespmem:v5+s4+$0x0], $0xffff  }
0xd6: {  	v14 =	vadd.s32 v1, v9;
	v4 =	vand.u32 $0xF, v22;
	v21 =	vshll.u32 v21, $0x4  }
0xd7: {  	v11 =	vand.u32 $0xF, v11;
	vm1 =	veq.s32 v4, $0x1;
	v18 =	vsel vm2, v21, v18;
	v4 =	vld [tilespmem:s9+$0xFFFFFFE0]  }
0xd8: {  	vm15 =	vlt.s32 v7, $0x1FFF;
	v21 =	vand.u32 $0xF, v26;
	v8 =	vand.u32 $0xF, v8;
	v22 =	vld [tilespmem:s9+$0x0];
	[tilespmem:s5+$0xFFFFFFE0] =	vst v18  }
0xd9: {  	v24 =	vmpcnt.ones.xlane vm1;
	vm2 =	vlt.s32 v20, $0x1FFF;
	v18 =	vsel vm1, $0x1, v0;
	v13 =	vld.idx.msk [tilespmem:v13+s4+$0x0], $0xffff  }
0xda: {  	v25 =	vsel vm1, $0xFFFFFFFF, v0;
	v19 =	vand.u32 $0xF, v19;
	(xrf0) =	vadd.scan.msk.s32 $0xffff, v18;
	v18 =	vnsel vm2, $0x1FFF, v20  }
0xdb: {  	vm3 =	veq.s32 v21, $0x1;
	v3 =	vand.u32 $0xF, v3;
	v9 =	vadd.s32 v9, v24  }
0xdc: {  	v21 =	vadd.s32 v1, v9;
	v20 =	vsel vm3, $0xFFFFFFFF, v0;
	vm4 =	veq.s32 v19, $0x1  }
0xdd: {  	v19 =	vsel vm3, $0x1, v0;
	v24 =	vmpcnt.ones.xlane vm4;
	v4 =	vand.u32 $0xF, v4;
	v26 =	vld.idx.msk [tilespmem:v15+s4+$0x0], $0xffff  }
0xde: {  	vm6 =	veq.s32 v3, $0x1;
	v3 =	vshll.u32 v5, $0x4;
	vm2 =	veq.s32 v4, $0x1;
	(xrf0) =	vadd.scan.msk.s32 $0xffff, v19  }
0xdf: {  	v4 =	vsel vm4, $0x1, v0;
	v5 =	vand.u32 $0xF, v22;
	v13 =	vshll.u32 v13, $0x4  }
0xe0: {  	v14 =	vadd.s32 v25, v14;
	v10 =	vsel vm14, v3, v10;
	v19 =	vmpcnt.ones.xlane vm2;
	v15, _, _ =	vpop (xrf0)  }
0xe1: {  	vm5 =	veq.s32 v11, $0x1;
	v14 =	vadd.s32 v15, v14;
	(xrf0) =	vadd.scan.msk.s32 $0xffff, v4;
	v4 =	vnsel vm12, $0x1FFF, v16;
	v11 =	vld.idx.msk [tilespmem:v18+s4+$0x0], $0xffff  }
0xe2: {  	v3 =	vsel vm4, $0xFFFFFFFF, v0;
	vm7 =	veq.s32 v5, $0x1;
	v6 =	vsel vm13, v13, v6;
	[tilespmem:s5+$0xFFFFFFD0] =	vst v10  }
0xe3: {  	v5 =	vadd.s32 v20, v21;
	v13 =	vsel vm2, $0x1, v0;
	v10 =	vmpcnt.ones.xlane vm3;
	[tilespmem:s5+$0xFFFFFFF0] =	vst v6  }
0xe4: {  	vm8 =	veq.s32 v8, $0x1;
	vm12 =	vlt.s32 v14, $0x1FFF;
	v6 =	vsel vm5, $0x1, v0;
	v15, _, _ =	vpop (xrf0)  }
0xe5: {  	v8 =	vsel vm8, $0x1, v0;
	v16 =	vmpcnt.ones.xlane vm8;
	v18 =	vmpcnt.ones.xlane vm5;
	(xrf0) =	vadd.scan.msk.s32 $0xffff, v13  }
0xe6: {  	v7 =	vnsel vm15, $0x1FFF, v7;
	v20 =	vnsel vm12, $0x1FFF, v14;
	v9 =	vadd.s32 v9, v10;
	(xrf0) =	vadd.scan.msk.s32 $0xffff, v8;
	v10 =	vld.idx.msk [tilespmem:v4+s4+$0x0], $0xffff  }
0xe7: {  	v8 =	vadd.s32 v9, v19;
	v4 =	vmpcnt.ones.xlane vm7;
	v11 =	vshll.u32 v11, $0x4;
	v13, _, _ =	vpop (xrf0)  }
0xe8: {  	v21 =	vmpcnt.ones.xlane vm6;
	v19 =	vsel vm6, $0x1, v0;
	v14 =	vadd.s32 v8, v24;
	(xrf0) =	vadd.scan.msk.s32 $0xffff, v6  }
0xe9: {  	v24 =	vadd.s32 v1, v9;
	v4 =	vadd.s32 v14, v4;
	v6 =	vsel vm6, $0xFFFFFFFF, v0;
	(xrf0) =	vadd.scan.msk.s32 $0xffff, v19  }
0xea: {  	v9 =	vsel vm7, $0x1, v0;
	v19 =	vadd.s32 v1, v4;
	v21 =	vadd.s32 v4, v21;
	v4 =	vld [tilespmem:s6+$0x20]  }
0xeb: {  	v25 =	vsel vm8, $0xFFFFFFFF, v0;
	v19 =	vadd.s32 v6, v19;
	v16 =	vadd.s32 v21, v16;
	v27, _, _ =	vpop (xrf0);
	(xrf0) =	vadd.scan.msk.s32 $0xffff, v9;
	v28 =	vld.idx.msk [tilespmem:v7+s4+$0x0], $0xffff  }
0xec: {  	v7 =	vsel vm7, $0xFFFFFFFF, v0;
	v9 =	vadd.s32 v16, v18;
	v18 =	vshll.u32 v10, $0x4;
	v6 =	vld [tilespmem:s6+$0xFFFFFFF0];
	v22, _, _ =	vpop (xrf0)  }
0xed: {  	v14 =	vadd.s32 v1, v14;
	v29 =	vadd.s32 v1, v21;
	v21 =	vshll.u32 v26, $0x4;
	v10 =	vld [tilespmem:s6+$0xFFFFFFD0]  }
0xee: {  	v32 =	vsel vm2, $0xFFFFFFFF, v0;
	v30 =	vadd.s32 v7, v14;
	v7 =	vsel vm11, v21, v23;
	v14 =	vld [tilespmem:s6+$0x0];
	v31, _, _ =	vpop (xrf0)  }
.Ltmp1:
0xef: {  	v17 =	vsel vm10, v18, v17;
	v21 =	vld.idx.msk [tilespmem:v20+s4+$0x0], $0xffff;
	v20 =	vadd.s32 v32, v24;
	v24 =	vsel vm5, $0xFFFFFFFF, v0;
	v26, _, _ =	vpop (xrf0);
	[tilespmem:s5+$0x20] =	vst v7;
	(pc) =	sbr.rel @p0 .LBB2_3-.Ltmp1, $4  }
0xf0: {  	v25 =	vadd.s32 v25, v29;
	v23 =	vld [tilespmem:s6+$0xFFFFFFC0];
	v20 =	vadd.s32 v27, v20;
	v27 =	vadd.s32 v1, v16;
	[tilespmem:s5+$0x0] =	vst v17  }
0xf1: {  	v7 =	vadd.s32 v26, v19;
	vm10 =	vlt.s32 v20, $0x1FFF;
	v18 =	vld [tilespmem:s6+$0xFFFFFFE0];
	v26 =	vadd.s32 v24, v27;
	v16, _, _ =	vpop (xrf0)  }
0xf2: {  	v27 =	vshll.u32 v28, $0x4;
	v24 =	vnsel vm10, $0x1FFF, v20;
	v16 =	vadd.s32 v16, v30;
	v17 =	vld [tilespmem:s6+$0x30]  }
0xf3: {  	s9 =	sadd.s32 $0x80, s9;
	v20 =	vadd.s32 v31, v26;
	v12 =	vsel vm9, v27, v12;
	vm12 =	vlt.s32 v16, $0x1FFF;
	v19 =	vld [tilespmem:s6+$0x10]  }
0xf4: {  	v0 =	vadd.s32 v1, v8  }
0xf5: {  	v46 =	vadd.s32 v15, v5;
	v47 =	vadd.s32 v22, v25;
	vm14 =	vlt.s32 v7, $0x1FFF  }
0xf6: {  	v0 =	vadd.s32 v3, v0;
	vm9 =	vlt.s32 v46, $0x1FFF;
	v7 =	vnsel vm14, $0x1FFF, v7  }
0xf7: {  	vm13 =	vlt.s32 v47, $0x1FFF;
	v0 =	vadd.s32 v13, v0;
	v1 =	vnsel vm9, $0x1FFF, v46  }
0xf8: {  	v3 =	vnsel vm13, $0x1FFF, v47;
	vm15 =	vlt.s32 v0, $0x1FFF  }
0xf9: {  	v0 =	vnsel vm15, $0x1FFF, v0  }
0xfa: {  	v48 =	vnsel vm12, $0x1FFF, v16;
	v49 =	vld.idx.msk [tilespmem:v24+s4+$0x0], $0xffff;
	vm15 =	vlt.s32 v20, $0x1FFF  }
0xfb: {  	v9 =	vnsel vm15, $0x1FFF, v20;
	v7 =	vld.idx.msk [tilespmem:v7+s4+$0x0], $0xffff  }
0xfc: {  	v2 =	vsel vm0, v11, v2;
	vm3 =	vmmov vm3;
	vm4 =	vmmov vm4;
	v1 =	vld.idx.msk [tilespmem:v1+s4+$0x0], $0xffff  }
0xfd: {  	vm12 =	vmmov vm6;
	v50 =	vshll.u32 v21, $0x4;
	v10 =	vadd.s32 $0x1, v10;
	v3 =	vld.idx.msk [tilespmem:v3+s4+$0x0], $0xffff  }
0xfe: {  	[tilespmem:s5+$0x10] =	vst v12;
	v6 =	vadd.s32 $0x1, v6;
	v54 =	vadd.s32 $0x1, v4;
	v51 =	vadd.s32 $0x1, v23;
	v0 =	vld.idx.msk [tilespmem:v0+s4+$0x0], $0xffff  }
0xff: {  	[tilespmem:s5+$0x30] =	vst v2;
	v11 =	vsel vm1, v50, v51;
	v52 =	vadd.s32 $0x1, v18;
	v5 =	vld.idx.msk [tilespmem:v48+s4+$0x0], $0xffff;
	v8 =	vshll.u32 v49, $0x4  }
0x100: {  	[tilespmem:s3+$0xFFFFFFC0] =	vst v11;
	v58 =	vadd.s32 $0x1, v19;
	v2 =	vsel vm2, v8, v52;
	v53 =	vld.idx.msk [tilespmem:v9+s4+$0x0], $0xffff;
	v59 =	vshll.u32 v7, $0x4  }
0x101: {  	v56 =	vadd.s32 $0x1, v14;
	[tilespmem:s3+$0xFFFFFFE0] =	vst v2;
	v1 =	vshll.u32 v1, $0x4;
	v62 =	vsel vm12, v59, v58  }
0x102: {  	vm15 =	vmmov vm8;
	v55 =	vshll.u32 v3, $0x4;
	v1 =	vsel vm3, v1, v10;
	[tilespmem:s3+$0x10] =	vst v62  }
0x103: {  	vm14 =	vmmov vm7;
	v0 =	vshll.u32 v0, $0x4;
	[tilespmem:s3+$0xFFFFFFD0] =	vst v1;
	v1 =	vsel vm15, v55, v54  }
0x104: {  	vm13 =	vmmov vm5;
	v57 =	vshll.u32 v5, $0x4;
	v0 =	vsel vm4, v0, v6;
	[tilespmem:s3+$0x20] =	vst v1  }
0x105: {  	v60 =	vadd.s32 $0x1, v17;
	v61 =	vshll.u32 v53, $0x4;
	[tilespmem:s3+$0xFFFFFFF0] =	vst v0;
	v0 =	vsel vm14, v57, v56  }
0x106: {  	v63 =	vsel vm13, v61, v60;
	[tilespmem:s3+$0x0] =	vst v0  }
0x107: {  	s29 =	simm.s32 $0x0;
	s30 =	simm.s32 $0x4000;
	s31 =	simm.s32 $0x3;
	[tilespmem:s3+$0x30] =	vst v63  }
0x108: {  	[hbm4b:s2+s29] =	stream.linear.scatter [tilespmem:s30], [sflag:$0x3], $0x1000, $0x38;
	[tilespmem:$0x58B0] =	vst v63  }
0x109: {  	_ =	swait.ge [sflag:s31], $0x1000  }
0x10a: {  	[sflag:s31] =	ssyncset.done $0x0  }
0x10b: {  	[sflag:s31] =	ssyncadd.s32 $0xFFFFF000  }
0x10c: {  	_ =	sfence.sel $0x180000  }
0x10d: {  	[bflag:$0x0] =	sbarrier.arrive $0xFFFF  }
0x10e: {  	p0 =	sne.s32 s1, $0x0;
	_ =	strace $0x90000047  }
0x10f: {  	s0 =	sadd.s32 @!p0 $0x100000, s0;
	[bflag:$0x2] =	sbarrier.arrive $0xFFFF  }
0x110: {  	[sflag:s0] =	ssyncadd.tile.s32 @!p0 $0x1;
	_ =	shalt  }
.Lfunc_end2:
_tile_overlayer_lowered:
.L_overlay_start_2:
0x111: {  	(tag) =	ssettag $0x2  }
0x112: {  	s0 =	rddreg [dreg:$0x0];
	s2 =	stileid.u32  }
0x113: {  	s1 =	rddreg [dreg:$0x1];
	p0 =	sne.s32 s2, $0x0  }
0x114: {  	s3 =	rddreg [dreg:$0x2];
	[bflag:$0x3] =	sbarrier.arrive $0xFFFF;
	s2 =	simm.s32 @!p0 $0x1C03  }
0x115: {  	[timem:s3], [sflag:s2] =	dma.local @!p0 [hbm:s0], s1  }
0x116: {  	s0 =	simm.s32 @!p0 $0x3  }
0x117: {  	_ =	swait.ge @!p0 [sflag:s0], s1  }
0x118: {  	s1 =	ssub.s32 @!p0 $0x0, s1;
	[sflag:s0] =	ssyncset.done @!p0 $0x0  }
0x119: {  	[sflag:s0] =	ssyncadd.s32 @!p0 s1  }
0x11a: {  	[bflag:$0x3] =	sbarrier.arrive $0xFFFF  }
0x11b: {  	_ =	shalt  }

</sc_bundles>
